<compile_context>
chip_gen: v7x
topology: tpu7x:2x2x1
jax: 0.10.2.dev20260603
libtpu: 0.0.44.dev20260713+nightly
codegen_flags: <defaults>
</compile_context>

<pallas_src>
import functools

import jax
import jax.numpy as jnp
from jax import lax
from jax.experimental import pallas as pl
from jax.experimental.pallas import tpu as pltpu
from jax.experimental.pallas import tpu_sc as plsc

_LENGTH = 5
_EMBED = 768
_POOL = 2000
_TOPK = 5
_BATCH = 128
_SEQ = 196
_BCHUNK = 16

_HROW = _LENGTH * _EMBED
_NHALF = 2 * _POOL
_NW = 32
_CH = 5
_CROWS = 8


def _tc_body(x_ref, key_ref, sim_ref, idx_ref, rsum_ref):
    i = pl.program_id(0)
    x = x_ref[...]
    xm = jnp.mean(x, axis=1)
    xsq = jnp.sum(xm * xm, axis=-1, keepdims=True)
    xn = xm * lax.rsqrt(jnp.maximum(xsq, 1e-12))
    k = key_ref[...]
    ksq = jnp.sum(k * k, axis=-1, keepdims=True)
    kn = k * lax.rsqrt(jnp.maximum(ksq, 1e-12))
    sim = lax.dot_general(xn, kn, (((1,), (1,)), ((), ())),
                          preferred_element_type=jnp.float32)
    sim_ref[...] = sim

    col = lax.broadcasted_iota(jnp.int32, (_BCHUNK, _POOL), 1)
    work = sim
    vals_total = jnp.float32(0.0)
    half_idxs = []
    for _ in range(_TOPK):
        m = jnp.max(work, axis=1, keepdims=True)
        sel = jnp.where(work == m, col, _POOL)
        ik = jnp.min(sel, axis=1, keepdims=True)
        half_idxs.append(ik * 2)
        half_idxs.append(ik * 2 + 1)
        vals_total = vals_total + jnp.sum(m)
        work = jnp.where(col == ik, -jnp.inf, work)
    idx_ref[...] = jnp.concatenate(half_idxs, axis=1)

    @pl.when(i == 0)
    def _():
        rsum_ref[...] = jnp.zeros((8, 128), jnp.float32)

    rsum_ref[...] = rsum_ref[...] + jnp.full((8, 128), vals_total / _BATCH,
                                             jnp.float32)


def _tc_call(x_embed, prompt_key):
    return pl.pallas_call(
        _tc_body,
        grid=(_BATCH // _BCHUNK,),
        in_specs=[
            pl.BlockSpec((_BCHUNK, _SEQ, _EMBED), lambda i: (i, 0, 0)),
            pl.BlockSpec((_POOL, _EMBED), lambda i: (0, 0)),
        ],
        out_specs=[
            pl.BlockSpec((_BCHUNK, _POOL), lambda i: (i, 0)),
            pl.BlockSpec((_BCHUNK, 2 * _TOPK), lambda i: (i, 0)),
            pl.BlockSpec((8, 128), lambda i: (0, 0)),
        ],
        out_shape=[
            jax.ShapeDtypeStruct((_BATCH, _POOL), jnp.float32),
            jax.ShapeDtypeStruct((_BATCH, 2 * _TOPK), jnp.int32),
            jax.ShapeDtypeStruct((8, 128), jnp.float32),
        ],
    )(x_embed, prompt_key)


def _sc_body(table_hbm, idx_hbm, out_hbm, idx_v, buf0, buf1, sg0, sg1, so0, so1):
    wid = lax.axis_index("s") * 2 + lax.axis_index("c")
    pltpu.sync_copy(idx_hbm.at[wid], idx_v)

    def gather(c, buf, sem):
        return pltpu.async_copy(table_hbm.at[idx_v.at[c]], buf, sem)

    def put(c, buf, sem):
        return pltpu.async_copy(buf, out_hbm.at[wid, c], sem)

    g0 = gather(0, buf0, sg0)
    g1 = gather(1, buf1, sg1)
    g0.wait()
    o0 = put(0, buf0, so0)
    g1.wait()
    o1 = put(1, buf1, so1)
    o0.wait()
    g2 = gather(2, buf0, sg0)
    o1.wait()
    g3 = gather(3, buf1, sg1)
    g2.wait()
    o2 = put(2, buf0, so0)
    g3.wait()
    o3 = put(3, buf1, so1)
    o2.wait()
    g4 = gather(4, buf0, sg0)
    g4.wait()
    o4 = put(4, buf0, so0)
    o3.wait()
    o4.wait()


@functools.cache
def _sc_gather():
    return pl.kernel(
        _sc_body,
        mesh=plsc.VectorSubcoreMesh(core_axis_name="c", subcore_axis_name="s"),
        out_type=jax.ShapeDtypeStruct((_NW, _CH, _CROWS, _HROW), jnp.float32),
        scratch_types=[
            pltpu.VMEM((_CH, _CROWS), jnp.int32),
            pltpu.VMEM((_CROWS, _HROW), jnp.float32),
            pltpu.VMEM((_CROWS, _HROW), jnp.float32),
            pltpu.SemaphoreType.DMA,
            pltpu.SemaphoreType.DMA,
            pltpu.SemaphoreType.DMA,
            pltpu.SemaphoreType.DMA,
        ],
    )


def kernel(x_embed, e_p_0, prompt_key, layer_num=0):
    sim, idx2, rsum = _tc_call(x_embed, prompt_key)
    table_h = e_p_0.reshape(_NHALF, _HROW)
    idx_r = idx2.reshape(_NW, _CH, _CROWS)
    rows = _sc_gather()(table_h, idx_r)
    batched_prompt = rows.reshape(_BATCH, _TOPK * 2 * _LENGTH, _EMBED)
    reduce_sim = rsum[0, 0]
    return (batched_prompt, sim, reduce_sim)

# --- scband reference (transcript-rebuilt; emitter-appended) ---
"""Pipeline reference for scband-eprompt-62431644614846 (READ-ONLY COPY).

The authoritative reference and input builder live on the scoring server;
editing this copy changes nothing except your own understanding.
"""

import jax, jax.numpy as jnp
import numpy as np

LENGTH = 5
EMBED_DIM = 768
NUM_TASKS = 200
PROMPTS_PER_TASK = 10
POOL_SIZE = NUM_TASKS * PROMPTS_PER_TASK
TOP_K = 5
BATCH = 128
SEQ = 196


def l2_normalize(x, axis=None, epsilon=1e-12):
    square_sum = jnp.sum(x ** 2, axis=axis, keepdims=True)
    x_inv_norm = jax.lax.rsqrt(jnp.maximum(square_sum, epsilon))
    return x * x_inv_norm


def setup_inputs(seed: int = 0):
    key = jax.random.key(seed)
    k1, k2, k3 = jax.random.split(key, 3)
    x_embed = jax.random.normal(k1, (BATCH, SEQ, EMBED_DIM), dtype=jnp.float32)
    # e_p_0: per-layer prompt pool param, uniform(-1, 1), shape (pool_size, 2*length, embed_dim)
    e_p_0 = jax.random.uniform(k2, (POOL_SIZE, 2 * LENGTH, EMBED_DIM), minval=-1.0, maxval=1.0, dtype=jnp.float32)
    # prompt_key: uniform(-1, 1), shape (pool_size, embed_dim)
    prompt_key = jax.random.uniform(k3, (POOL_SIZE, EMBED_DIM), minval=-1.0, maxval=1.0, dtype=jnp.float32)
    return {"x_embed": x_embed, "e_p_0": e_p_0, "prompt_key": prompt_key, "layer_num": 0}


def reference(x_embed, e_p_0, prompt_key, layer_num=0):
    # embedding_key == 'mean'
    x_embed_mean = jnp.mean(x_embed, axis=1)                      # (B, C)
    prompt_key_norm = l2_normalize(prompt_key, axis=-1)           # (pool, C)
    x_embed_norm = l2_normalize(x_embed_mean, axis=-1)            # (B, C)
    similarity = jnp.matmul(prompt_key_norm, x_embed_norm.T).T    # (B, pool)
    similarity_top_k, idx = jax.lax.top_k(similarity, TOP_K)      # (B, top_k)
    # use_prefix_tune_for_e_prompt: gather per-layer prompt tokens e_p_{layer_num}
    batched_prompt_raw = jnp.take(e_p_0, idx, axis=0)             # (B, top_k, 2*length, C)
    B = batched_prompt_raw.shape[0]
    batched_prompt = batched_prompt_raw.reshape(B, TOP_K * 2 * LENGTH, EMBED_DIM)
    batched_key_norm = jnp.take(prompt_key_norm, idx, axis=0)     # (B, top_k, C)
    sim = batched_key_norm * x_embed_norm[:, None, :]             # (B, top_k, C)
    reduce_sim = jnp.sum(sim) / x_embed.shape[0]                  # scalar pull-loss term
    return (batched_prompt, similarity, reduce_sim)

if __name__ == "__main__":
    import jax
    _d = setup_inputs()
    print(jax.jit(kernel)(*tuple(_d.values())))

</pallas_src>

<mosaic_0001>
#map = affine_map<(d0, d1) -> (0, 0)>
#map1 = affine_map<(d0, d1) -> (0, 0, 0)>
#map2 = affine_map<(d0, d1) -> (0, 0, 0, 0)>
module attributes {stable_mosaic.version = 14 : i64} {
  func.func @_sc_body(%arg0: i32, %arg1: i32, %arg2: memref<4000x3840xf32, #tpu.memory_space<hbm>>, %arg3: memref<32x5x8xi32, #tpu.memory_space<hbm>>, %arg4: memref<32x5x8x3840xf32, #tpu.memory_space<hbm>>, %arg5: memref<5x8xi32, #tpu.memory_space<vmem>>, %arg6: memref<8x3840xf32, #tpu.memory_space<vmem>>, %arg7: memref<8x3840xf32, #tpu.memory_space<vmem>>, %arg8: memref<!tpu.dma_semaphore, #tpu.memory_space<semaphore_mem>>, %arg9: memref<!tpu.dma_semaphore, #tpu.memory_space<semaphore_mem>>, %arg10: memref<!tpu.dma_semaphore, #tpu.memory_space<semaphore_mem>>, %arg11: memref<!tpu.dma_semaphore, #tpu.memory_space<semaphore_mem>>) attributes {dimension_semantics = [#tpu.dimension_semantics<core_parallel>, #tpu.dimension_semantics<subcore_parallel>], iteration_bounds = array<i64: 2, 16>, scalar_prefetch = 0 : i64, scratch_operands = 7 : i64, tpu.core_type = #tpu.core_type<sc_vector_subcore>, window_params = [{transform_indices = #map}, {transform_indices = #map1}, {transform_indices = #map2}]} {
    %mul3A = arith.constant 2 : i32
    %mul3A_0 = arith.muli %arg1, %mul3A : i32
    %add3A = arith.addi %mul3A_0, %arg0 : i32
    "tpu.region"() ({
      %run_scoped3A = tpu.sem_alloc : memref<!tpu.dma_semaphore, #tpu.memory_space<semaphore_mem>>
      %dma_start3A_159 = arith.constant 0 : i32
      %dma_start3A_160 = arith.constant 0 : i32
      %dma_start3A_161 = tpu.memref_slice %arg3[%add3A, %dma_start3A_159, %dma_start3A_160] : memref<32x5x8xi32, #tpu.memory_space<hbm>> -> memref<1x5x8xi32, #tpu.memory_space<hbm>>
      %dma_start3A_162 = tpu.memref_squeeze %dma_start3A_161 : memref<1x5x8xi32, #tpu.memory_space<hbm>> -> memref<5x8xi32, #tpu.memory_space<hbm>>
      %dma_start3A_163 = arith.constant 0 : i32
      %dma_start3A_164 = arith.constant 0 : i32
      %dma_start3A_165 = tpu.memref_slice %arg3[%add3A, %dma_start3A_163, %dma_start3A_164] : memref<32x5x8xi32, #tpu.memory_space<hbm>> -> memref<1x5x8xi32, #tpu.memory_space<hbm>>
      %dma_start3A_166 = tpu.memref_squeeze %dma_start3A_165 : memref<1x5x8xi32, #tpu.memory_space<hbm>> -> memref<5x8xi32, #tpu.memory_space<hbm>>
      tpu.enqueue_dma source(%dma_start3A_166 : memref<5x8xi32, #tpu.memory_space<hbm>>) target(%arg5 : memref<5x8xi32, #tpu.memory_space<vmem>>) target_semaphore(%run_scoped3A : memref<!tpu.dma_semaphore, #tpu.memory_space<semaphore_mem>>)
      %dma_wait3A_167 = arith.constant 0 : i32
      %dma_wait3A_168 = arith.constant 0 : i32
      %dma_wait3A_169 = tpu.memref_slice %arg3[%add3A, %dma_wait3A_167, %dma_wait3A_168] : memref<32x5x8xi32, #tpu.memory_space<hbm>> -> memref<1x5x8xi32, #tpu.memory_space<hbm>>
      %dma_wait3A_170 = tpu.memref_squeeze %dma_wait3A_169 : memref<1x5x8xi32, #tpu.memory_space<hbm>> -> memref<5x8xi32, #tpu.memory_space<hbm>>
      %dma_wait3A_171 = arith.constant 0 : i32
      %dma_wait3A_172 = arith.constant 0 : i32
      %dma_wait3A_173 = tpu.memref_slice %arg3[%add3A, %dma_wait3A_171, %dma_wait3A_172] : memref<32x5x8xi32, #tpu.memory_space<hbm>> -> memref<1x5x8xi32, #tpu.memory_space<hbm>>
      %dma_wait3A_174 = tpu.memref_squeeze %dma_wait3A_173 : memref<1x5x8xi32, #tpu.memory_space<hbm>> -> memref<5x8xi32, #tpu.memory_space<hbm>>
      tpu.wait_dma2 semaphore(%run_scoped3A : memref<!tpu.dma_semaphore, #tpu.memory_space<semaphore_mem>>) src(%dma_wait3A_174 : memref<5x8xi32, #tpu.memory_space<hbm>>) dst(%arg5 : memref<5x8xi32, #tpu.memory_space<vmem>>)
      tpu.yield
    }) : () -> ()
    %dma_start3A = arith.constant 0 : i32
    %dma_start3A_1 = arith.constant 0 : i32
    %dma_start3A_2 = tpu.memref_slice %arg5[%dma_start3A, %dma_start3A_1] : memref<5x8xi32, #tpu.memory_space<vmem>> -> memref<1x8xi32, #tpu.memory_space<vmem>>
    %dma_start3A_3 = tpu.memref_squeeze %dma_start3A_2 : memref<1x8xi32, #tpu.memory_space<vmem>> -> memref<8xi32, #tpu.memory_space<vmem>>
    %dma_start3A_4 = arith.constant 0 : i32
    %dma_start3A_5 = arith.constant 0 : i32
    %dma_start3A_6 = tpu.memref_slice %arg2[%dma_start3A_4, %dma_start3A_5] : memref<4000x3840xf32, #tpu.memory_space<hbm>> -> memref<4000x3840xf32, #tpu.memory_space<hbm>>
    tpu.enqueue_indirect_dma source(%dma_start3A_6 : memref<4000x3840xf32, #tpu.memory_space<hbm>>) target(%arg6 : memref<8x3840xf32, #tpu.memory_space<vmem>>) offsets(%dma_start3A_3 : memref<8xi32, #tpu.memory_space<vmem>>) semaphore(%arg8 : memref<!tpu.dma_semaphore, #tpu.memory_space<semaphore_mem>>)
    %dma_start3A_7 = arith.constant 1 : i32
    %dma_start3A_8 = arith.constant 0 : i32
    %dma_start3A_9 = tpu.memref_slice %arg5[%dma_start3A_7, %dma_start3A_8] : memref<5x8xi32, #tpu.memory_space<vmem>> -> memref<1x8xi32, #tpu.memory_space<vmem>>
    %dma_start3A_10 = tpu.memref_squeeze %dma_start3A_9 : memref<1x8xi32, #tpu.memory_space<vmem>> -> memref<8xi32, #tpu.memory_space<vmem>>
    %dma_start3A_11 = arith.constant 0 : i32
    %dma_start3A_12 = arith.constant 0 : i32
    %dma_start3A_13 = tpu.memref_slice %arg2[%dma_start3A_11, %dma_start3A_12] : memref<4000x3840xf32, #tpu.memory_space<hbm>> -> memref<4000x3840xf32, #tpu.memory_space<hbm>>
    tpu.enqueue_indirect_dma source(%dma_start3A_13 : memref<4000x3840xf32, #tpu.memory_space<hbm>>) target(%arg7 : memref<8x3840xf32, #tpu.memory_space<vmem>>) offsets(%dma_start3A_10 : memref<8xi32, #tpu.memory_space<vmem>>) semaphore(%arg9 : memref<!tpu.dma_semaphore, #tpu.memory_space<semaphore_mem>>)
    %dma_wait3A = arith.constant 0 : i32
    %dma_wait3A_14 = arith.constant 0 : i32
    %dma_wait3A_15 = tpu.memref_slice %arg5[%dma_wait3A, %dma_wait3A_14] : memref<5x8xi32, #tpu.memory_space<vmem>> -> memref<1x8xi32, #tpu.memory_space<vmem>>
    %dma_wait3A_16 = tpu.memref_squeeze %dma_wait3A_15 : memref<1x8xi32, #tpu.memory_space<vmem>> -> memref<8xi32, #tpu.memory_space<vmem>>
    %dma_wait3A_17 = arith.constant 0 : i32
    %dma_wait3A_18 = arith.constant 0 : i32
    %dma_wait3A_19 = tpu.memref_slice %arg2[%dma_wait3A_17, %dma_wait3A_18] : memref<4000x3840xf32, #tpu.memory_space<hbm>> -> memref<4000x3840xf32, #tpu.memory_space<hbm>>
    tpu.wait_indirect_dma semaphore(%arg8 : memref<!tpu.dma_semaphore, #tpu.memory_space<semaphore_mem>>) src(%dma_wait3A_19 : memref<4000x3840xf32, #tpu.memory_space<hbm>>) dst(%arg6 : memref<8x3840xf32, #tpu.memory_space<vmem>>)
    %dma_start3A_20 = arith.constant 0 : i32
    %dma_start3A_21 = arith.constant 0 : i32
    %dma_start3A_22 = arith.constant 0 : i32
    %dma_start3A_23 = tpu.memref_slice %arg4[%add3A, %dma_start3A_20, %dma_start3A_21, %dma_start3A_22] : memref<32x5x8x3840xf32, #tpu.memory_space<hbm>> -> memref<1x1x8x3840xf32, #tpu.memory_space<hbm>>
    %dma_start3A_24 = tpu.memref_squeeze %dma_start3A_23 : memref<1x1x8x3840xf32, #tpu.memory_space<hbm>> -> memref<8x3840xf32, #tpu.memory_space<hbm>>
    %dma_start3A_25 = arith.constant 0 : i32
    %dma_start3A_26 = arith.constant 0 : i32
    %dma_start3A_27 = tpu.memref_slice %arg4[%add3A, %dma_start3A_20, %dma_start3A_25, %dma_start3A_26] : memref<32x5x8x3840xf32, #tpu.memory_space<hbm>> -> memref<1x1x8x3840xf32, #tpu.memory_space<hbm>>
    %dma_start3A_28 = tpu.memref_squeeze %dma_start3A_27 : memref<1x1x8x3840xf32, #tpu.memory_space<hbm>> -> memref<8x3840xf32, #tpu.memory_space<hbm>>
    tpu.enqueue_dma source(%arg6 : memref<8x3840xf32, #tpu.memory_space<vmem>>) target(%dma_start3A_28 : memref<8x3840xf32, #tpu.memory_space<hbm>>) target_semaphore(%arg10 : memref<!tpu.dma_semaphore, #tpu.memory_space<semaphore_mem>>)
    %dma_wait3A_29 = arith.constant 1 : i32
    %dma_wait3A_30 = arith.constant 0 : i32
    %dma_wait3A_31 = tpu.memref_slice %arg5[%dma_wait3A_29, %dma_wait3A_30] : memref<5x8xi32, #tpu.memory_space<vmem>> -> memref<1x8xi32, #tpu.memory_space<vmem>>
    %dma_wait3A_32 = tpu.memref_squeeze %dma_wait3A_31 : memref<1x8xi32, #tpu.memory_space<vmem>> -> memref<8xi32, #tpu.memory_space<vmem>>
    %dma_wait3A_33 = arith.constant 0 : i32
    %dma_wait3A_34 = arith.constant 0 : i32
    %dma_wait3A_35 = tpu.memref_slice %arg2[%dma_wait3A_33, %dma_wait3A_34] : memref<4000x3840xf32, #tpu.memory_space<hbm>> -> memref<4000x3840xf32, #tpu.memory_space<hbm>>
    tpu.wait_indirect_dma semaphore(%arg9 : memref<!tpu.dma_semaphore, #tpu.memory_space<semaphore_mem>>) src(%dma_wait3A_35 : memref<4000x3840xf32, #tpu.memory_space<hbm>>) dst(%arg7 : memref<8x3840xf32, #tpu.memory_space<vmem>>)
    %dma_start3A_36 = arith.constant 1 : i32
    %dma_start3A_37 = arith.constant 0 : i32
    %dma_start3A_38 = arith.constant 0 : i32
    %dma_start3A_39 = tpu.memref_slice %arg4[%add3A, %dma_start3A_36, %dma_start3A_37, %dma_start3A_38] : memref<32x5x8x3840xf32, #tpu.memory_space<hbm>> -> memref<1x1x8x3840xf32, #tpu.memory_space<hbm>>
    %dma_start3A_40 = tpu.memref_squeeze %dma_start3A_39 : memref<1x1x8x3840xf32, #tpu.memory_space<hbm>> -> memref<8x3840xf32, #tpu.memory_space<hbm>>
    %dma_start3A_41 = arith.constant 0 : i32
    %dma_start3A_42 = arith.constant 0 : i32
    %dma_start3A_43 = tpu.memref_slice %arg4[%add3A, %dma_start3A_36, %dma_start3A_41, %dma_start3A_42] : memref<32x5x8x3840xf32, #tpu.memory_space<hbm>> -> memref<1x1x8x3840xf32, #tpu.memory_space<hbm>>
    %dma_start3A_44 = tpu.memref_squeeze %dma_start3A_43 : memref<1x1x8x3840xf32, #tpu.memory_space<hbm>> -> memref<8x3840xf32, #tpu.memory_space<hbm>>
    tpu.enqueue_dma source(%arg7 : memref<8x3840xf32, #tpu.memory_space<vmem>>) target(%dma_start3A_44 : memref<8x3840xf32, #tpu.memory_space<hbm>>) target_semaphore(%arg11 : memref<!tpu.dma_semaphore, #tpu.memory_space<semaphore_mem>>)
    %dma_wait3A_45 = arith.constant 0 : i32
    %dma_wait3A_46 = arith.constant 0 : i32
    %dma_wait3A_47 = arith.constant 0 : i32
    %dma_wait3A_48 = tpu.memref_slice %arg4[%add3A, %dma_wait3A_45, %dma_wait3A_46, %dma_wait3A_47] : memref<32x5x8x3840xf32, #tpu.memory_space<hbm>> -> memref<1x1x8x3840xf32, #tpu.memory_space<hbm>>
    %dma_wait3A_49 = tpu.memref_squeeze %dma_wait3A_48 : memref<1x1x8x3840xf32, #tpu.memory_space<hbm>> -> memref<8x3840xf32, #tpu.memory_space<hbm>>
    %dma_wait3A_50 = arith.constant 0 : i32
    %dma_wait3A_51 = arith.constant 0 : i32
    %dma_wait3A_52 = tpu.memref_slice %arg4[%add3A, %dma_wait3A_45, %dma_wait3A_50, %dma_wait3A_51] : memref<32x5x8x3840xf32, #tpu.memory_space<hbm>> -> memref<1x1x8x3840xf32, #tpu.memory_space<hbm>>
    %dma_wait3A_53 = tpu.memref_squeeze %dma_wait3A_52 : memref<1x1x8x3840xf32, #tpu.memory_space<hbm>> -> memref<8x3840xf32, #tpu.memory_space<hbm>>
    tpu.wait_dma2 semaphore(%arg10 : memref<!tpu.dma_semaphore, #tpu.memory_space<semaphore_mem>>) src(%arg6 : memref<8x3840xf32, #tpu.memory_space<vmem>>) dst(%dma_wait3A_53 : memref<8x3840xf32, #tpu.memory_space<hbm>>)
    %dma_start3A_54 = arith.constant 2 : i32
    %dma_start3A_55 = arith.constant 0 : i32
    %dma_start3A_56 = tpu.memref_slice %arg5[%dma_start3A_54, %dma_start3A_55] : memref<5x8xi32, #tpu.memory_space<vmem>> -> memref<1x8xi32, #tpu.memory_space<vmem>>
    %dma_start3A_57 = tpu.memref_squeeze %dma_start3A_56 : memref<1x8xi32, #tpu.memory_space<vmem>> -> memref<8xi32, #tpu.memory_space<vmem>>
    %dma_start3A_58 = arith.constant 0 : i32
    %dma_start3A_59 = arith.constant 0 : i32
    %dma_start3A_60 = tpu.memref_slice %arg2[%dma_start3A_58, %dma_start3A_59] : memref<4000x3840xf32, #tpu.memory_space<hbm>> -> memref<4000x3840xf32, #tpu.memory_space<hbm>>
    tpu.enqueue_indirect_dma source(%dma_start3A_60 : memref<4000x3840xf32, #tpu.memory_space<hbm>>) target(%arg6 : memref<8x3840xf32, #tpu.memory_space<vmem>>) offsets(%dma_start3A_57 : memref<8xi32, #tpu.memory_space<vmem>>) semaphore(%arg8 : memref<!tpu.dma_semaphore, #tpu.memory_space<semaphore_mem>>)
    %dma_wait3A_61 = arith.constant 1 : i32
    %dma_wait3A_62 = arith.constant 0 : i32
    %dma_wait3A_63 = arith.constant 0 : i32
    %dma_wait3A_64 = tpu.memref_slice %arg4[%add3A, %dma_wait3A_61, %dma_wait3A_62, %dma_wait3A_63] : memref<32x5x8x3840xf32, #tpu.memory_space<hbm>> -> memref<1x1x8x3840xf32, #tpu.memory_space<hbm>>
    %dma_wait3A_65 = tpu.memref_squeeze %dma_wait3A_64 : memref<1x1x8x3840xf32, #tpu.memory_space<hbm>> -> memref<8x3840xf32, #tpu.memory_space<hbm>>
    %dma_wait3A_66 = arith.constant 0 : i32
    %dma_wait3A_67 = arith.constant 0 : i32
    %dma_wait3A_68 = tpu.memref_slice %arg4[%add3A, %dma_wait3A_61, %dma_wait3A_66, %dma_wait3A_67] : memref<32x5x8x3840xf32, #tpu.memory_space<hbm>> -> memref<1x1x8x3840xf32, #tpu.memory_space<hbm>>
    %dma_wait3A_69 = tpu.memref_squeeze %dma_wait3A_68 : memref<1x1x8x3840xf32, #tpu.memory_space<hbm>> -> memref<8x3840xf32, #tpu.memory_space<hbm>>
    tpu.wait_dma2 semaphore(%arg11 : memref<!tpu.dma_semaphore, #tpu.memory_space<semaphore_mem>>) src(%arg7 : memref<8x3840xf32, #tpu.memory_space<vmem>>) dst(%dma_wait3A_69 : memref<8x3840xf32, #tpu.memory_space<hbm>>)
    %dma_start3A_70 = arith.constant 3 : i32
    %dma_start3A_71 = arith.constant 0 : i32
    %dma_start3A_72 = tpu.memref_slice %arg5[%dma_start3A_70, %dma_start3A_71] : memref<5x8xi32, #tpu.memory_space<vmem>> -> memref<1x8xi32, #tpu.memory_space<vmem>>
    %dma_start3A_73 = tpu.memref_squeeze %dma_start3A_72 : memref<1x8xi32, #tpu.memory_space<vmem>> -> memref<8xi32, #tpu.memory_space<vmem>>
    %dma_start3A_74 = arith.constant 0 : i32
    %dma_start3A_75 = arith.constant 0 : i32
    %dma_start3A_76 = tpu.memref_slice %arg2[%dma_start3A_74, %dma_start3A_75] : memref<4000x3840xf32, #tpu.memory_space<hbm>> -> memref<4000x3840xf32, #tpu.memory_space<hbm>>
    tpu.enqueue_indirect_dma source(%dma_start3A_76 : memref<4000x3840xf32, #tpu.memory_space<hbm>>) target(%arg7 : memref<8x3840xf32, #tpu.memory_space<vmem>>) offsets(%dma_start3A_73 : memref<8xi32, #tpu.memory_space<vmem>>) semaphore(%arg9 : memref<!tpu.dma_semaphore, #tpu.memory_space<semaphore_mem>>)
    %dma_wait3A_77 = arith.constant 2 : i32
    %dma_wait3A_78 = arith.constant 0 : i32
    %dma_wait3A_79 = tpu.memref_slice %arg5[%dma_wait3A_77, %dma_wait3A_78] : memref<5x8xi32, #tpu.memory_space<vmem>> -> memref<1x8xi32, #tpu.memory_space<vmem>>
    %dma_wait3A_80 = tpu.memref_squeeze %dma_wait3A_79 : memref<1x8xi32, #tpu.memory_space<vmem>> -> memref<8xi32, #tpu.memory_space<vmem>>
    %dma_wait3A_81 = arith.constant 0 : i32
    %dma_wait3A_82 = arith.constant 0 : i32
    %dma_wait3A_83 = tpu.memref_slice %arg2[%dma_wait3A_81, %dma_wait3A_82] : memref<4000x3840xf32, #tpu.memory_space<hbm>> -> memref<4000x3840xf32, #tpu.memory_space<hbm>>
    tpu.wait_indirect_dma semaphore(%arg8 : memref<!tpu.dma_semaphore, #tpu.memory_space<semaphore_mem>>) src(%dma_wait3A_83 : memref<4000x3840xf32, #tpu.memory_space<hbm>>) dst(%arg6 : memref<8x3840xf32, #tpu.memory_space<vmem>>)
    %dma_start3A_84 = arith.constant 2 : i32
    %dma_start3A_85 = arith.constant 0 : i32
    %dma_start3A_86 = arith.constant 0 : i32
    %dma_start3A_87 = tpu.memref_slice %arg4[%add3A, %dma_start3A_84, %dma_start3A_85, %dma_start3A_86] : memref<32x5x8x3840xf32, #tpu.memory_space<hbm>> -> memref<1x1x8x3840xf32, #tpu.memory_space<hbm>>
    %dma_start3A_88 = tpu.memref_squeeze %dma_start3A_87 : memref<1x1x8x3840xf32, #tpu.memory_space<hbm>> -> memref<8x3840xf32, #tpu.memory_space<hbm>>
    %dma_start3A_89 = arith.constant 0 : i32
    %dma_start3A_90 = arith.constant 0 : i32
    %dma_start3A_91 = tpu.memref_slice %arg4[%add3A, %dma_start3A_84, %dma_start3A_89, %dma_start3A_90] : memref<32x5x8x3840xf32, #tpu.memory_space<hbm>> -> memref<1x1x8x3840xf32, #tpu.memory_space<hbm>>
    %dma_start3A_92 = tpu.memref_squeeze %dma_start3A_91 : memref<1x1x8x3840xf32, #tpu.memory_space<hbm>> -> memref<8x3840xf32, #tpu.memory_space<hbm>>
    tpu.enqueue_dma source(%arg6 : memref<8x3840xf32, #tpu.memory_space<vmem>>) target(%dma_start3A_92 : memref<8x3840xf32, #tpu.memory_space<hbm>>) target_semaphore(%arg10 : memref<!tpu.dma_semaphore, #tpu.memory_space<semaphore_mem>>)
    %dma_wait3A_93 = arith.constant 3 : i32
    %dma_wait3A_94 = arith.constant 0 : i32
    %dma_wait3A_95 = tpu.memref_slice %arg5[%dma_wait3A_93, %dma_wait3A_94] : memref<5x8xi32, #tpu.memory_space<vmem>> -> memref<1x8xi32, #tpu.memory_space<vmem>>
    %dma_wait3A_96 = tpu.memref_squeeze %dma_wait3A_95 : memref<1x8xi32, #tpu.memory_space<vmem>> -> memref<8xi32, #tpu.memory_space<vmem>>
    %dma_wait3A_97 = arith.constant 0 : i32
    %dma_wait3A_98 = arith.constant 0 : i32
    %dma_wait3A_99 = tpu.memref_slice %arg2[%dma_wait3A_97, %dma_wait3A_98] : memref<4000x3840xf32, #tpu.memory_space<hbm>> -> memref<4000x3840xf32, #tpu.memory_space<hbm>>
    tpu.wait_indirect_dma semaphore(%arg9 : memref<!tpu.dma_semaphore, #tpu.memory_space<semaphore_mem>>) src(%dma_wait3A_99 : memref<4000x3840xf32, #tpu.memory_space<hbm>>) dst(%arg7 : memref<8x3840xf32, #tpu.memory_space<vmem>>)
    %dma_start3A_100 = arith.constant 3 : i32
    %dma_start3A_101 = arith.constant 0 : i32
    %dma_start3A_102 = arith.constant 0 : i32
    %dma_start3A_103 = tpu.memref_slice %arg4[%add3A, %dma_start3A_100, %dma_start3A_101, %dma_start3A_102] : memref<32x5x8x3840xf32, #tpu.memory_space<hbm>> -> memref<1x1x8x3840xf32, #tpu.memory_space<hbm>>
    %dma_start3A_104 = tpu.memref_squeeze %dma_start3A_103 : memref<1x1x8x3840xf32, #tpu.memory_space<hbm>> -> memref<8x3840xf32, #tpu.memory_space<hbm>>
    %dma_start3A_105 = arith.constant 0 : i32
    %dma_start3A_106 = arith.constant 0 : i32
    %dma_start3A_107 = tpu.memref_slice %arg4[%add3A, %dma_start3A_100, %dma_start3A_105, %dma_start3A_106] : memref<32x5x8x3840xf32, #tpu.memory_space<hbm>> -> memref<1x1x8x3840xf32, #tpu.memory_space<hbm>>
    %dma_start3A_108 = tpu.memref_squeeze %dma_start3A_107 : memref<1x1x8x3840xf32, #tpu.memory_space<hbm>> -> memref<8x3840xf32, #tpu.memory_space<hbm>>
    tpu.enqueue_dma source(%arg7 : memref<8x3840xf32, #tpu.memory_space<vmem>>) target(%dma_start3A_108 : memref<8x3840xf32, #tpu.memory_space<hbm>>) target_semaphore(%arg11 : memref<!tpu.dma_semaphore, #tpu.memory_space<semaphore_mem>>)
    %dma_wait3A_109 = arith.constant 2 : i32
    %dma_wait3A_110 = arith.constant 0 : i32
    %dma_wait3A_111 = arith.constant 0 : i32
    %dma_wait3A_112 = tpu.memref_slice %arg4[%add3A, %dma_wait3A_109, %dma_wait3A_110, %dma_wait3A_111] : memref<32x5x8x3840xf32, #tpu.memory_space<hbm>> -> memref<1x1x8x3840xf32, #tpu.memory_space<hbm>>
    %dma_wait3A_113 = tpu.memref_squeeze %dma_wait3A_112 : memref<1x1x8x3840xf32, #tpu.memory_space<hbm>> -> memref<8x3840xf32, #tpu.memory_space<hbm>>
    %dma_wait3A_114 = arith.constant 0 : i32
    %dma_wait3A_115 = arith.constant 0 : i32
    %dma_wait3A_116 = tpu.memref_slice %arg4[%add3A, %dma_wait3A_109, %dma_wait3A_114, %dma_wait3A_115] : memref<32x5x8x3840xf32, #tpu.memory_space<hbm>> -> memref<1x1x8x3840xf32, #tpu.memory_space<hbm>>
    %dma_wait3A_117 = tpu.memref_squeeze %dma_wait3A_116 : memref<1x1x8x3840xf32, #tpu.memory_space<hbm>> -> memref<8x3840xf32, #tpu.memory_space<hbm>>
    tpu.wait_dma2 semaphore(%arg10 : memref<!tpu.dma_semaphore, #tpu.memory_space<semaphore_mem>>) src(%arg6 : memref<8x3840xf32, #tpu.memory_space<vmem>>) dst(%dma_wait3A_117 : memref<8x3840xf32, #tpu.memory_space<hbm>>)
    %dma_start3A_118 = arith.constant 4 : i32
    %dma_start3A_119 = arith.constant 0 : i32
    %dma_start3A_120 = tpu.memref_slice %arg5[%dma_start3A_118, %dma_start3A_119] : memref<5x8xi32, #tpu.memory_space<vmem>> -> memref<1x8xi32, #tpu.memory_space<vmem>>
    %dma_start3A_121 = tpu.memref_squeeze %dma_start3A_120 : memref<1x8xi32, #tpu.memory_space<vmem>> -> memref<8xi32, #tpu.memory_space<vmem>>
    %dma_start3A_122 = arith.constant 0 : i32
    %dma_start3A_123 = arith.constant 0 : i32
    %dma_start3A_124 = tpu.memref_slice %arg2[%dma_start3A_122, %dma_start3A_123] : memref<4000x3840xf32, #tpu.memory_space<hbm>> -> memref<4000x3840xf32, #tpu.memory_space<hbm>>
    tpu.enqueue_indirect_dma source(%dma_start3A_124 : memref<4000x3840xf32, #tpu.memory_space<hbm>>) target(%arg6 : memref<8x3840xf32, #tpu.memory_space<vmem>>) offsets(%dma_start3A_121 : memref<8xi32, #tpu.memory_space<vmem>>) semaphore(%arg8 : memref<!tpu.dma_semaphore, #tpu.memory_space<semaphore_mem>>)
    %dma_wait3A_125 = arith.constant 4 : i32
    %dma_wait3A_126 = arith.constant 0 : i32
    %dma_wait3A_127 = tpu.memref_slice %arg5[%dma_wait3A_125, %dma_wait3A_126] : memref<5x8xi32, #tpu.memory_space<vmem>> -> memref<1x8xi32, #tpu.memory_space<vmem>>
    %dma_wait3A_128 = tpu.memref_squeeze %dma_wait3A_127 : memref<1x8xi32, #tpu.memory_space<vmem>> -> memref<8xi32, #tpu.memory_space<vmem>>
    %dma_wait3A_129 = arith.constant 0 : i32
    %dma_wait3A_130 = arith.constant 0 : i32
    %dma_wait3A_131 = tpu.memref_slice %arg2[%dma_wait3A_129, %dma_wait3A_130] : memref<4000x3840xf32, #tpu.memory_space<hbm>> -> memref<4000x3840xf32, #tpu.memory_space<hbm>>
    tpu.wait_indirect_dma semaphore(%arg8 : memref<!tpu.dma_semaphore, #tpu.memory_space<semaphore_mem>>) src(%dma_wait3A_131 : memref<4000x3840xf32, #tpu.memory_space<hbm>>) dst(%arg6 : memref<8x3840xf32, #tpu.memory_space<vmem>>)
    %dma_start3A_132 = arith.constant 4 : i32
    %dma_start3A_133 = arith.constant 0 : i32
    %dma_start3A_134 = arith.constant 0 : i32
    %dma_start3A_135 = tpu.memref_slice %arg4[%add3A, %dma_start3A_132, %dma_start3A_133, %dma_start3A_134] : memref<32x5x8x3840xf32, #tpu.memory_space<hbm>> -> memref<1x1x8x3840xf32, #tpu.memory_space<hbm>>
    %dma_start3A_136 = tpu.memref_squeeze %dma_start3A_135 : memref<1x1x8x3840xf32, #tpu.memory_space<hbm>> -> memref<8x3840xf32, #tpu.memory_space<hbm>>
    %dma_start3A_137 = arith.constant 0 : i32
    %dma_start3A_138 = arith.constant 0 : i32
    %dma_start3A_139 = tpu.memref_slice %arg4[%add3A, %dma_start3A_132, %dma_start3A_137, %dma_start3A_138] : memref<32x5x8x3840xf32, #tpu.memory_space<hbm>> -> memref<1x1x8x3840xf32, #tpu.memory_space<hbm>>
    %dma_start3A_140 = tpu.memref_squeeze %dma_start3A_139 : memref<1x1x8x3840xf32, #tpu.memory_space<hbm>> -> memref<8x3840xf32, #tpu.memory_space<hbm>>
    tpu.enqueue_dma source(%arg6 : memref<8x3840xf32, #tpu.memory_space<vmem>>) target(%dma_start3A_140 : memref<8x3840xf32, #tpu.memory_space<hbm>>) target_semaphore(%arg10 : memref<!tpu.dma_semaphore, #tpu.memory_space<semaphore_mem>>)
    %dma_wait3A_141 = arith.constant 3 : i32
    %dma_wait3A_142 = arith.constant 0 : i32
    %dma_wait3A_143 = arith.constant 0 : i32
    %dma_wait3A_144 = tpu.memref_slice %arg4[%add3A, %dma_wait3A_141, %dma_wait3A_142, %dma_wait3A_143] : memref<32x5x8x3840xf32, #tpu.memory_space<hbm>> -> memref<1x1x8x3840xf32, #tpu.memory_space<hbm>>
    %dma_wait3A_145 = tpu.memref_squeeze %dma_wait3A_144 : memref<1x1x8x3840xf32, #tpu.memory_space<hbm>> -> memref<8x3840xf32, #tpu.memory_space<hbm>>
    %dma_wait3A_146 = arith.constant 0 : i32
    %dma_wait3A_147 = arith.constant 0 : i32
    %dma_wait3A_148 = tpu.memref_slice %arg4[%add3A, %dma_wait3A_141, %dma_wait3A_146, %dma_wait3A_147] : memref<32x5x8x3840xf32, #tpu.memory_space<hbm>> -> memref<1x1x8x3840xf32, #tpu.memory_space<hbm>>
    %dma_wait3A_149 = tpu.memref_squeeze %dma_wait3A_148 : memref<1x1x8x3840xf32, #tpu.memory_space<hbm>> -> memref<8x3840xf32, #tpu.memory_space<hbm>>
    tpu.wait_dma2 semaphore(%arg11 : memref<!tpu.dma_semaphore, #tpu.memory_space<semaphore_mem>>) src(%arg7 : memref<8x3840xf32, #tpu.memory_space<vmem>>) dst(%dma_wait3A_149 : memref<8x3840xf32, #tpu.memory_space<hbm>>)
    %dma_wait3A_150 = arith.constant 4 : i32
    %dma_wait3A_151 = arith.constant 0 : i32
    %dma_wait3A_152 = arith.constant 0 : i32
    %dma_wait3A_153 = tpu.memref_slice %arg4[%add3A, %dma_wait3A_150, %dma_wait3A_151, %dma_wait3A_152] : memref<32x5x8x3840xf32, #tpu.memory_space<hbm>> -> memref<1x1x8x3840xf32, #tpu.memory_space<hbm>>
    %dma_wait3A_154 = tpu.memref_squeeze %dma_wait3A_153 : memref<1x1x8x3840xf32, #tpu.memory_space<hbm>> -> memref<8x3840xf32, #tpu.memory_space<hbm>>
    %dma_wait3A_155 = arith.constant 0 : i32
    %dma_wait3A_156 = arith.constant 0 : i32
    %dma_wait3A_157 = tpu.memref_slice %arg4[%add3A, %dma_wait3A_150, %dma_wait3A_155, %dma_wait3A_156] : memref<32x5x8x3840xf32, #tpu.memory_space<hbm>> -> memref<1x1x8x3840xf32, #tpu.memory_space<hbm>>
    %dma_wait3A_158 = tpu.memref_squeeze %dma_wait3A_157 : memref<1x1x8x3840xf32, #tpu.memory_space<hbm>> -> memref<8x3840xf32, #tpu.memory_space<hbm>>
    tpu.wait_dma2 semaphore(%arg10 : memref<!tpu.dma_semaphore, #tpu.memory_space<semaphore_mem>>) src(%arg6 : memref<8x3840xf32, #tpu.memory_space<vmem>>) dst(%dma_wait3A_158 : memref<8x3840xf32, #tpu.memory_space<hbm>>)
    return
  }
}

module attributes {stable_mosaic.version = 14 : i64} {
  func.func @_tc_body(%arg0: i32, %arg1: memref<16x196x768xf32, #tpu.memory_space<vmem>>, %arg2: memref<2000x768xf32, #tpu.memory_space<vmem>>, %arg3: memref<16x2000xf32, #tpu.memory_space<vmem>>, %arg4: memref<16x10xi32, #tpu.memory_space<vmem>>, %arg5: memref<8x128xf32, #tpu.memory_space<vmem>>) attributes {dimension_semantics = [#tpu.dimension_semantics<arbitrary>], iteration_bounds = array<i64: 8>, scalar_prefetch = 0 : i64, scratch_operands = 0 : i64, tpu.core_type = #tpu.core_type<tc>, window_params = [{transform_indices = @transform_0, window_bounds = array<i64: 16, 196, 768>}, {pipeline_mode = #tpu.pipeline_mode<synchronous>, transform_indices = @transform_1, window_bounds = array<i64: 2000, 768>}, {transform_indices = @transform_2, window_bounds = array<i64: 16, 2000>}, {transform_indices = @transform_3, window_bounds = array<i64: 16, 10>}, {pipeline_mode = #tpu.pipeline_mode<synchronous>, transform_indices = @transform_4, window_bounds = array<i64: 8, 128>}]} {
    %get3A = arith.constant 0 : index
    %get3A_0 = arith.constant 0 : index
    %get3A_1 = arith.constant 0 : index
    %get3A_2 = vector.load %arg1[%get3A, %get3A_0, %get3A_1] : memref<16x196x768xf32, #tpu.memory_space<vmem>>, vector<16x196x768xf32>
    %reduce_sum3A = arith.constant dense<0.000000e+00> : vector<16x768xf32>
    %reduce_sum3A_3 = vector.multi_reduction <add>, %get3A_2, %reduce_sum3A [1] : vector<16x196x768xf32> to vector<16x768xf32>
    %div3A = arith.constant 1.960000e+02 : f32
    %div3A_4 = vector.broadcast %div3A : f32 to vector<16x768xf32>
    %div3A_5 = arith.divf %reduce_sum3A_3, %div3A_4 : vector<16x768xf32>
    %mul3A = arith.mulf %div3A_5, %div3A_5 : vector<16x768xf32>
    %reduce_sum3A_6 = arith.constant dense<0.000000e+00> : vector<16xf32>
    %reduce_sum3A_7 = vector.multi_reduction <add>, %mul3A, %reduce_sum3A_6 [1] : vector<16x768xf32> to vector<16xf32>
    %broadcast_in_dim3A = vector.shape_cast %reduce_sum3A_7 : vector<16xf32> to vector<16x1xf32>
    %max3A = arith.constant 9.99999996E-13 : f32
    %max3A_8 = vector.broadcast %max3A : f32 to vector<16x1xf32>
    %max3A_9 = arith.maximumf %broadcast_in_dim3A, %max3A_8 : vector<16x1xf32>
    %rsqrt3A = math.rsqrt %max3A_9 : vector<16x1xf32>
    %mul3A_10 = vector.broadcast %rsqrt3A : vector<16x1xf32> to vector<16x768xf32>
    %mul3A_11 = arith.mulf %div3A_5, %mul3A_10 : vector<16x768xf32>
    %get3A_12 = arith.constant 0 : index
    %get3A_13 = arith.constant 0 : index
    %get3A_14 = vector.load %arg2[%get3A_12, %get3A_13] : memref<2000x768xf32, #tpu.memory_space<vmem>>, vector<2000x768xf32>
    %mul3A_15 = arith.mulf %get3A_14, %get3A_14 : vector<2000x768xf32>
    %reduce_sum3A_16 = arith.constant dense<0.000000e+00> : vector<2000xf32>
    %reduce_sum3A_17 = vector.multi_reduction <add>, %mul3A_15, %reduce_sum3A_16 [1] : vector<2000x768xf32> to vector<2000xf32>
    %broadcast_in_dim3A_18 = vector.shape_cast %reduce_sum3A_17 : vector<2000xf32> to vector<2000x1xf32>
    %max3A_19 = arith.constant 9.99999996E-13 : f32
    %max3A_20 = vector.broadcast %max3A_19 : f32 to vector<2000x1xf32>
    %max3A_21 = arith.maximumf %broadcast_in_dim3A_18, %max3A_20 : vector<2000x1xf32>
    %rsqrt3A_22 = math.rsqrt %max3A_21 : vector<2000x1xf32>
    %mul3A_23 = vector.broadcast %rsqrt3A_22 : vector<2000x1xf32> to vector<2000x768xf32>
    %mul3A_24 = arith.mulf %get3A_14, %mul3A_23 : vector<2000x768xf32>
    %dot_general3A = arith.constant dense<0.000000e+00> : vector<16x2000xf32>
    %dot_general3A_25 = tpu.matmul %mul3A_11, %mul3A_24, %dot_general3A {dimension_numbers = #tpu.dot_dimension_numbers<[1], [1], [0], [0], [0, 0, 1, 0], [], []>, transpose_lhs_hint = false} : vector<16x768xf32>, vector<2000x768xf32>, vector<16x2000xf32> -> vector<16x2000xf32>
    %swap3A = arith.constant 0 : index
    %swap3A_26 = arith.constant 0 : index
    %swap3A_27 = vector.load %arg3[%swap3A, %swap3A_26] : memref<16x2000xf32, #tpu.memory_space<vmem>>, vector<16x2000xf32>
    tpu.vector_store %arg3[%swap3A, %swap3A_26], %dot_general3A_25 {strides = array<i32>} : memref<16x2000xf32, #tpu.memory_space<vmem>>, vector<16x2000xf32>,
    %iota3A = tpu.iota {dimensions = array<i32: 1>} : vector<16x2000xi32>
    %reduce_max3A = arith.constant dense<0xFF800000> : vector<16xf32>
    %reduce_max3A_28 = vector.multi_reduction <maximumf>, %dot_general3A_25, %reduce_max3A [1] : vector<16x2000xf32> to vector<16xf32>
    %broadcast_in_dim3A_29 = vector.shape_cast %reduce_max3A_28 : vector<16xf32> to vector<16x1xf32>
    %eq3A = vector.broadcast %broadcast_in_dim3A_29 : vector<16x1xf32> to vector<16x2000xf32>
    %eq3A_30 = arith.cmpf oeq, %dot_general3A_25, %eq3A : vector<16x2000xf32>
    %jit3A = arith.constant 2000 : i32
    %broadcast_in_dim3A_31 = vector.broadcast %jit3A : i32 to vector<16x2000xi32>
    %select_n3A = arith.select %eq3A_30, %iota3A, %broadcast_in_dim3A_31 : vector<16x2000xi1>, vector<16x2000xi32>
    %reduce_min3A = arith.constant dense<2147483647> : vector<16xi32>
    %reduce_min3A_32 = vector.multi_reduction <minsi>, %select_n3A, %reduce_min3A [1] : vector<16x2000xi32> to vector<16xi32>
    %broadcast_in_dim3A_33 = vector.shape_cast %reduce_min3A_32 : vector<16xi32> to vector<16x1xi32>
    %mul3A_34 = arith.constant 2 : i32
    %mul3A_35 = vector.broadcast %mul3A_34 : i32 to vector<16x1xi32>
    %mul3A_36 = arith.muli %broadcast_in_dim3A_33, %mul3A_35 : vector<16x1xi32>
    %mul3A_37 = arith.constant 2 : i32
    %mul3A_38 = vector.broadcast %mul3A_37 : i32 to vector<16x1xi32>
    %mul3A_39 = arith.muli %broadcast_in_dim3A_33, %mul3A_38 : vector<16x1xi32>
    %add3A = arith.constant 1 : i32
    %add3A_40 = vector.broadcast %add3A : i32 to vector<16x1xi32>
    %add3A_41 = arith.addi %mul3A_39, %add3A_40 : vector<16x1xi32>
    %reduce_sum3A_42 = vector.shape_cast %broadcast_in_dim3A_29 : vector<16x1xf32> to vector<1x16x1xf32>
    %reduce_sum3A_43 = arith.constant dense<0.000000e+00> : vector<1xf32>
    %reduce_sum3A_44 = vector.multi_reduction <add>, %reduce_sum3A_42, %reduce_sum3A_43 [1, 2] : vector<1x16x1xf32> to vector<1xf32>
    %reduce_sum3A_45 = vector.shape_cast %reduce_sum3A_44 : vector<1xf32> to vector<1x1x1xf32>
    %reduce_sum3A_46 = vector.extract %reduce_sum3A_45[0, 0, 0] : f32 from vector<1x1x1xf32>
    %add3A_47 = arith.constant 0.000000e+00 : f32
    %add3A_48 = arith.addf %add3A_47, %reduce_sum3A_46 : f32
    %eq3A_49 = vector.broadcast %broadcast_in_dim3A_33 : vector<16x1xi32> to vector<16x2000xi32>
    %eq3A_50 = arith.cmpi eq, %iota3A, %eq3A_49 : vector<16x2000xi32>
    %jit3A_51 = arith.constant 0xFF800000 : f32
    %broadcast_in_dim3A_52 = vector.broadcast %jit3A_51 : f32 to vector<16x2000xf32>
    %select_n3A_53 = arith.select %eq3A_50, %broadcast_in_dim3A_52, %dot_general3A_25 : vector<16x2000xi1>, vector<16x2000xf32>
    %reduce_max3A_54 = arith.constant dense<0xFF800000> : vector<16xf32>
    %reduce_max3A_55 = vector.multi_reduction <maximumf>, %select_n3A_53, %reduce_max3A_54 [1] : vector<16x2000xf32> to vector<16xf32>
    %broadcast_in_dim3A_56 = vector.shape_cast %reduce_max3A_55 : vector<16xf32> to vector<16x1xf32>
    %eq3A_57 = vector.broadcast %broadcast_in_dim3A_56 : vector<16x1xf32> to vector<16x2000xf32>
    %eq3A_58 = arith.cmpf oeq, %select_n3A_53, %eq3A_57 : vector<16x2000xf32>
    %jit3A_59 = arith.constant 2000 : i32
    %broadcast_in_dim3A_60 = vector.broadcast %jit3A_59 : i32 to vector<16x2000xi32>
    %select_n3A_61 = arith.select %eq3A_58, %iota3A, %broadcast_in_dim3A_60 : vector<16x2000xi1>, vector<16x2000xi32>
    %reduce_min3A_62 = arith.constant dense<2147483647> : vector<16xi32>
    %reduce_min3A_63 = vector.multi_reduction <minsi>, %select_n3A_61, %reduce_min3A_62 [1] : vector<16x2000xi32> to vector<16xi32>
    %broadcast_in_dim3A_64 = vector.shape_cast %reduce_min3A_63 : vector<16xi32> to vector<16x1xi32>
    %mul3A_65 = arith.constant 2 : i32
    %mul3A_66 = vector.broadcast %mul3A_65 : i32 to vector<16x1xi32>
    %mul3A_67 = arith.muli %broadcast_in_dim3A_64, %mul3A_66 : vector<16x1xi32>
    %mul3A_68 = arith.constant 2 : i32
    %mul3A_69 = vector.broadcast %mul3A_68 : i32 to vector<16x1xi32>
    %mul3A_70 = arith.muli %broadcast_in_dim3A_64, %mul3A_69 : vector<16x1xi32>
    %add3A_71 = arith.constant 1 : i32
    %add3A_72 = vector.broadcast %add3A_71 : i32 to vector<16x1xi32>
    %add3A_73 = arith.addi %mul3A_70, %add3A_72 : vector<16x1xi32>
    %reduce_sum3A_74 = vector.shape_cast %broadcast_in_dim3A_56 : vector<16x1xf32> to vector<1x16x1xf32>
    %reduce_sum3A_75 = arith.constant dense<0.000000e+00> : vector<1xf32>
    %reduce_sum3A_76 = vector.multi_reduction <add>, %reduce_sum3A_74, %reduce_sum3A_75 [1, 2] : vector<1x16x1xf32> to vector<1xf32>
    %reduce_sum3A_77 = vector.shape_cast %reduce_sum3A_76 : vector<1xf32> to vector<1x1x1xf32>
    %reduce_sum3A_78 = vector.extract %reduce_sum3A_77[0, 0, 0] : f32 from vector<1x1x1xf32>
    %add3A_79 = arith.addf %add3A_48, %reduce_sum3A_78 : f32
    %eq3A_80 = vector.broadcast %broadcast_in_dim3A_64 : vector<16x1xi32> to vector<16x2000xi32>
    %eq3A_81 = arith.cmpi eq, %iota3A, %eq3A_80 : vector<16x2000xi32>
    %jit3A_82 = arith.constant 0xFF800000 : f32
    %broadcast_in_dim3A_83 = vector.broadcast %jit3A_82 : f32 to vector<16x2000xf32>
    %select_n3A_84 = arith.select %eq3A_81, %broadcast_in_dim3A_83, %select_n3A_53 : vector<16x2000xi1>, vector<16x2000xf32>
    %reduce_max3A_85 = arith.constant dense<0xFF800000> : vector<16xf32>
    %reduce_max3A_86 = vector.multi_reduction <maximumf>, %select_n3A_84, %reduce_max3A_85 [1] : vector<16x2000xf32> to vector<16xf32>
    %broadcast_in_dim3A_87 = vector.shape_cast %reduce_max3A_86 : vector<16xf32> to vector<16x1xf32>
    %eq3A_88 = vector.broadcast %broadcast_in_dim3A_87 : vector<16x1xf32> to vector<16x2000xf32>
    %eq3A_89 = arith.cmpf oeq, %select_n3A_84, %eq3A_88 : vector<16x2000xf32>
    %jit3A_90 = arith.constant 2000 : i32
    %broadcast_in_dim3A_91 = vector.broadcast %jit3A_90 : i32 to vector<16x2000xi32>
    %select_n3A_92 = arith.select %eq3A_89, %iota3A, %broadcast_in_dim3A_91 : vector<16x2000xi1>, vector<16x2000xi32>
    %reduce_min3A_93 = arith.constant dense<2147483647> : vector<16xi32>
    %reduce_min3A_94 = vector.multi_reduction <minsi>, %select_n3A_92, %reduce_min3A_93 [1] : vector<16x2000xi32> to vector<16xi32>
    %broadcast_in_dim3A_95 = vector.shape_cast %reduce_min3A_94 : vector<16xi32> to vector<16x1xi32>
    %mul3A_96 = arith.constant 2 : i32
    %mul3A_97 = vector.broadcast %mul3A_96 : i32 to vector<16x1xi32>
    %mul3A_98 = arith.muli %broadcast_in_dim3A_95, %mul3A_97 : vector<16x1xi32>
    %mul3A_99 = arith.constant 2 : i32
    %mul3A_100 = vector.broadcast %mul3A_99 : i32 to vector<16x1xi32>
    %mul3A_101 = arith.muli %broadcast_in_dim3A_95, %mul3A_100 : vector<16x1xi32>
    %add3A_102 = arith.constant 1 : i32
    %add3A_103 = vector.broadcast %add3A_102 : i32 to vector<16x1xi32>
    %add3A_104 = arith.addi %mul3A_101, %add3A_103 : vector<16x1xi32>
    %reduce_sum3A_105 = vector.shape_cast %broadcast_in_dim3A_87 : vector<16x1xf32> to vector<1x16x1xf32>
    %reduce_sum3A_106 = arith.constant dense<0.000000e+00> : vector<1xf32>
    %reduce_sum3A_107 = vector.multi_reduction <add>, %reduce_sum3A_105, %reduce_sum3A_106 [1, 2] : vector<1x16x1xf32> to vector<1xf32>
    %reduce_sum3A_108 = vector.shape_cast %reduce_sum3A_107 : vector<1xf32> to vector<1x1x1xf32>
    %reduce_sum3A_109 = vector.extract %reduce_sum3A_108[0, 0, 0] : f32 from vector<1x1x1xf32>
    %add3A_110 = arith.addf %add3A_79, %reduce_sum3A_109 : f32
    %eq3A_111 = vector.broadcast %broadcast_in_dim3A_95 : vector<16x1xi32> to vector<16x2000xi32>
    %eq3A_112 = arith.cmpi eq, %iota3A, %eq3A_111 : vector<16x2000xi32>
    %jit3A_113 = arith.constant 0xFF800000 : f32
    %broadcast_in_dim3A_114 = vector.broadcast %jit3A_113 : f32 to vector<16x2000xf32>
    %select_n3A_115 = arith.select %eq3A_112, %broadcast_in_dim3A_114, %select_n3A_84 : vector<16x2000xi1>, vector<16x2000xf32>
    %reduce_max3A_116 = arith.constant dense<0xFF800000> : vector<16xf32>
    %reduce_max3A_117 = vector.multi_reduction <maximumf>, %select_n3A_115, %reduce_max3A_116 [1] : vector<16x2000xf32> to vector<16xf32>
    %broadcast_in_dim3A_118 = vector.shape_cast %reduce_max3A_117 : vector<16xf32> to vector<16x1xf32>
    %eq3A_119 = vector.broadcast %broadcast_in_dim3A_118 : vector<16x1xf32> to vector<16x2000xf32>
    %eq3A_120 = arith.cmpf oeq, %select_n3A_115, %eq3A_119 : vector<16x2000xf32>
    %jit3A_121 = arith.constant 2000 : i32
    %broadcast_in_dim3A_122 = vector.broadcast %jit3A_121 : i32 to vector<16x2000xi32>
    %select_n3A_123 = arith.select %eq3A_120, %iota3A, %broadcast_in_dim3A_122 : vector<16x2000xi1>, vector<16x2000xi32>
    %reduce_min3A_124 = arith.constant dense<2147483647> : vector<16xi32>
    %reduce_min3A_125 = vector.multi_reduction <minsi>, %select_n3A_123, %reduce_min3A_124 [1] : vector<16x2000xi32> to vector<16xi32>
    %broadcast_in_dim3A_126 = vector.shape_cast %reduce_min3A_125 : vector<16xi32> to vector<16x1xi32>
    %mul3A_127 = arith.constant 2 : i32
    %mul3A_128 = vector.broadcast %mul3A_127 : i32 to vector<16x1xi32>
    %mul3A_129 = arith.muli %broadcast_in_dim3A_126, %mul3A_128 : vector<16x1xi32>
    %mul3A_130 = arith.constant 2 : i32
    %mul3A_131 = vector.broadcast %mul3A_130 : i32 to vector<16x1xi32>
    %mul3A_132 = arith.muli %broadcast_in_dim3A_126, %mul3A_131 : vector<16x1xi32>
    %add3A_133 = arith.constant 1 : i32
    %add3A_134 = vector.broadcast %add3A_133 : i32 to vector<16x1xi32>
    %add3A_135 = arith.addi %mul3A_132, %add3A_134 : vector<16x1xi32>
    %reduce_sum3A_136 = vector.shape_cast %broadcast_in_dim3A_118 : vector<16x1xf32> to vector<1x16x1xf32>
    %reduce_sum3A_137 = arith.constant dense<0.000000e+00> : vector<1xf32>
    %reduce_sum3A_138 = vector.multi_reduction <add>, %reduce_sum3A_136, %reduce_sum3A_137 [1, 2] : vector<1x16x1xf32> to vector<1xf32>
    %reduce_sum3A_139 = vector.shape_cast %reduce_sum3A_138 : vector<1xf32> to vector<1x1x1xf32>
    %reduce_sum3A_140 = vector.extract %reduce_sum3A_139[0, 0, 0] : f32 from vector<1x1x1xf32>
    %add3A_141 = arith.addf %add3A_110, %reduce_sum3A_140 : f32
    %eq3A_142 = vector.broadcast %broadcast_in_dim3A_126 : vector<16x1xi32> to vector<16x2000xi32>
    %eq3A_143 = arith.cmpi eq, %iota3A, %eq3A_142 : vector<16x2000xi32>
    %jit3A_144 = arith.constant 0xFF800000 : f32
    %broadcast_in_dim3A_145 = vector.broadcast %jit3A_144 : f32 to vector<16x2000xf32>
    %select_n3A_146 = arith.select %eq3A_143, %broadcast_in_dim3A_145, %select_n3A_115 : vector<16x2000xi1>, vector<16x2000xf32>
    %reduce_max3A_147 = arith.constant dense<0xFF800000> : vector<16xf32>
    %reduce_max3A_148 = vector.multi_reduction <maximumf>, %select_n3A_146, %reduce_max3A_147 [1] : vector<16x2000xf32> to vector<16xf32>
    %broadcast_in_dim3A_149 = vector.shape_cast %reduce_max3A_148 : vector<16xf32> to vector<16x1xf32>
    %eq3A_150 = vector.broadcast %broadcast_in_dim3A_149 : vector<16x1xf32> to vector<16x2000xf32>
    %eq3A_151 = arith.cmpf oeq, %select_n3A_146, %eq3A_150 : vector<16x2000xf32>
    %jit3A_152 = arith.constant 2000 : i32
    %broadcast_in_dim3A_153 = vector.broadcast %jit3A_152 : i32 to vector<16x2000xi32>
    %select_n3A_154 = arith.select %eq3A_151, %iota3A, %broadcast_in_dim3A_153 : vector<16x2000xi1>, vector<16x2000xi32>
    %reduce_min3A_155 = arith.constant dense<2147483647> : vector<16xi32>
    %reduce_min3A_156 = vector.multi_reduction <minsi>, %select_n3A_154, %reduce_min3A_155 [1] : vector<16x2000xi32> to vector<16xi32>
    %broadcast_in_dim3A_157 = vector.shape_cast %reduce_min3A_156 : vector<16xi32> to vector<16x1xi32>
    %mul3A_158 = arith.constant 2 : i32
    %mul3A_159 = vector.broadcast %mul3A_158 : i32 to vector<16x1xi32>
    %mul3A_160 = arith.muli %broadcast_in_dim3A_157, %mul3A_159 : vector<16x1xi32>
    %mul3A_161 = arith.constant 2 : i32
    %mul3A_162 = vector.broadcast %mul3A_161 : i32 to vector<16x1xi32>
    %mul3A_163 = arith.muli %broadcast_in_dim3A_157, %mul3A_162 : vector<16x1xi32>
    %add3A_164 = arith.constant 1 : i32
    %add3A_165 = vector.broadcast %add3A_164 : i32 to vector<16x1xi32>
    %add3A_166 = arith.addi %mul3A_163, %add3A_165 : vector<16x1xi32>
    %reduce_sum3A_167 = vector.shape_cast %broadcast_in_dim3A_149 : vector<16x1xf32> to vector<1x16x1xf32>
    %reduce_sum3A_168 = arith.constant dense<0.000000e+00> : vector<1xf32>
    %reduce_sum3A_169 = vector.multi_reduction <add>, %reduce_sum3A_167, %reduce_sum3A_168 [1, 2] : vector<1x16x1xf32> to vector<1xf32>
    %reduce_sum3A_170 = vector.shape_cast %reduce_sum3A_169 : vector<1xf32> to vector<1x1x1xf32>
    %reduce_sum3A_171 = vector.extract %reduce_sum3A_170[0, 0, 0] : f32 from vector<1x1x1xf32>
    %add3A_172 = arith.addf %add3A_141, %reduce_sum3A_171 : f32
    %concatenate3A = tpu.concatenate %mul3A_36, %add3A_41, %mul3A_67, %add3A_73, %mul3A_98, %add3A_104, %mul3A_129, %add3A_135, %mul3A_160, %add3A_166 in 1 : vector<16x1xi32>, vector<16x1xi32>, vector<16x1xi32>, vector<16x1xi32>, vector<16x1xi32>, vector<16x1xi32>, vector<16x1xi32>, vector<16x1xi32>, vector<16x1xi32>, vector<16x1xi32> -> vector<16x10xi32>
    %swap3A_173 = arith.constant 0 : index
    %swap3A_174 = arith.constant 0 : index
    %swap3A_175 = vector.load %arg4[%swap3A_173, %swap3A_174] : memref<16x10xi32, #tpu.memory_space<vmem>>, vector<16x10xi32>
    tpu.vector_store %arg4[%swap3A_173, %swap3A_174], %concatenate3A {strides = array<i32>} : memref<16x10xi32, #tpu.memory_space<vmem>>, vector<16x10xi32>,
    %eq3A_176 = arith.constant 0 : i32
    %eq3A_177 = arith.cmpi eq, %arg0, %eq3A_176 : i32
    %convert_element_type3A = arith.extui %eq3A_177 : i1 to i32
    %cond3A = arith.constant 0 : i32
    %cond3A_178 = arith.cmpi ne, %convert_element_type3A, %cond3A : i32
    scf.if %cond3A_178 {
      %broadcast_in_dim3A_189 = arith.constant 0.000000e+00 : f32
      %broadcast_in_dim3A_190 = vector.broadcast %broadcast_in_dim3A_189 : f32 to vector<8x128xf32>
      %swap3A_191 = arith.constant 0 : index
      %swap3A_192 = arith.constant 0 : index
      %swap3A_193 = vector.load %arg5[%swap3A_191, %swap3A_192] : memref<8x128xf32, #tpu.memory_space<vmem>>, vector<8x128xf32>
      tpu.vector_store %arg5[%swap3A_191, %swap3A_192], %broadcast_in_dim3A_190 {strides = array<i32>} : memref<8x128xf32, #tpu.memory_space<vmem>>, vector<8x128xf32>,
    } else {
    }
    %get3A_179 = arith.constant 0 : index
    %get3A_180 = arith.constant 0 : index
    %get3A_181 = vector.load %arg5[%get3A_179, %get3A_180] : memref<8x128xf32, #tpu.memory_space<vmem>>, vector<8x128xf32>
    %div3A_182 = arith.constant 1.280000e+02 : f32
    %div3A_183 = arith.divf %add3A_172, %div3A_182 : f32
    %broadcast_in_dim3A_184 = vector.broadcast %div3A_183 : f32 to vector<8x128xf32>
    %add3A_185 = arith.addf %get3A_181, %broadcast_in_dim3A_184 : vector<8x128xf32>
    %swap3A_186 = arith.constant 0 : index
    %swap3A_187 = arith.constant 0 : index
    %swap3A_188 = vector.load %arg5[%swap3A_186, %swap3A_187] : memref<8x128xf32, #tpu.memory_space<vmem>>, vector<8x128xf32>
    tpu.vector_store %arg5[%swap3A_186, %swap3A_187], %add3A_185 {strides = array<i32>} : memref<8x128xf32, #tpu.memory_space<vmem>>, vector<8x128xf32>,
    return
  }
  func.func @transform_0(%arg0: i32) -> (i32, i32, i32) {
    %c0_i32 = arith.constant 0 : i32
    %c0_i32_0 = arith.constant 0 : i32
    %c0_i32_1 = arith.constant 0 : i32
    return %arg0, %c0_i32, %c0_i32_0 : i32, i32, i32
  }
  func.func @transform_1(%arg0: i32) -> (i32, i32) {
    %c0_i32 = arith.constant 0 : i32
    %c0_i32_0 = arith.constant 0 : i32
    %c0_i32_1 = arith.constant 0 : i32
    return %c0_i32, %c0_i32_0 : i32, i32
  }
  func.func @transform_2(%arg0: i32) -> (i32, i32) {
    %c0_i32 = arith.constant 0 : i32
    %c0_i32_0 = arith.constant 0 : i32
    return %arg0, %c0_i32 : i32, i32
  }
  func.func @transform_3(%arg0: i32) -> (i32, i32) {
    %c0_i32 = arith.constant 0 : i32
    %c0_i32_0 = arith.constant 0 : i32
    return %arg0, %c0_i32 : i32, i32
  }
  func.func @transform_4(%arg0: i32) -> (i32, i32) {
    %c0_i32 = arith.constant 0 : i32
    %c0_i32_0 = arith.constant 0 : i32
    %c0_i32_1 = arith.constant 0 : i32
    return %c0_i32, %c0_i32_0 : i32, i32
  }
}

</mosaic_0001>

<sc_bundles>
// kernel: kernel.4.cloned.1.call-start
scs
__scs_entry_jumppad:
0x0: {  	(pc) =	sbr.rel $0x88, $3  }
0x1: {  	(tag) =	ssettag $0x0;
	lr =	simm.s32 $0x1  }
0x2: {  	[smem:$0x3F9E] =	sst lr;
	_ =	strace $0xD0000000  }
0x3: {  	_ = 	snop  }
0x4: {  	_ = 	snop  }
0x5: {  	_ = 	snop  }
0x6: {  	_ = 	snop  }
0x7: {  	_ = 	snop  }
__scs_overlays_trampoline_lowered:
0x8: {  	[smem:$0x3FAD] =	sst s0  }
0x9: {  	[smem:$0x3FAE] =	sst s1  }
0xa: {  	[smem:$0x3FAF] =	sst s2  }
0xb: {  	[smem:$0x3FB0] =	sst s3  }
0xc: {  	[smem:$0x3FB1] =	sst s4  }
0xd: {  	[smem:$0x3FB2] =	sst s5  }
0xe: {  	[smem:$0x3FB3] =	sst s6  }
0xf: {  	[smem:$0x3FB4] =	sst s7  }
0x10: {  	[smem:$0x3FB5] =	sst s8  }
0x11: {  	[smem:$0x3FB6] =	sst s9;
	s0 =	simm.s32 @!p0 $0x0  }
0x12: {  	s1 =	sld [smem:$0x3F9C];
	s0 =	simm.s32 @p0 $0x1  }
0x13: {  	[smem:$0x3FB7] =	sst s0;
	s0 =	simm.s32 @!p1 $0x0  }
0x14: {  	s2 =	sld [smem:$0x3F9B];
	s0 =	simm.s32 @p1 $0x1  }
0x15: {  	[smem:$0x3FB8] =	sst s0;
	s0 =	simm.s32 @!p2 $0x0  }
0x16: {  	s3 =	sld [smem:$0x3FDB];
	s0 =	simm.s32 @p2 $0x1  }
0x17: {  	s4 =	simm.s32 $0x1BF5;
	[smem:$0x3FBA] =	sst s0  }
0x18: {  	s0 =	sld [smem:$0x3F9D];
	_ =	swait.ge [sflag:s4], $0x0  }
0x19: {  	s7 =	sld [smem:$0x3F9E]  }
0x1a: {  	s8 =	sadd.s32 $0xFFFFE003, lr  }
0x1b: {  	s9 =	sadd.s32 $0xFFFFFEF7, lr;
	s5 =	simm.s32 $0xFFFFFFFF;
	p2 =	slt.u32 s8, $0xFFFFF086  }
0x1c: {  	p1 =	slt.u32 s9, $0xF7A;
	s5 =	simm.s32 @!p2 $0x0  }
0x1d: {  	s5 =	simm.s32 @p1 $0x1;
	p0 =	seq.s32 s7, s2  }
0x1e: {  	s7 =	smul.u32 @!p0 $0xF7A, s2;
	p2 =	seq.s32 @!p0 s5, $0x0  }
0x1f: {  	s9 =	smul.u32 $0xF7A, s1;
	s8 =	simm.s32 @!p0 $0x1BF5;
	p2 =	por !p2, p0  }
0x20: {  	[sflag:s8] =	ssyncset.s32 @!p0 $0xFFFFF086;
	s6 =	sadd.s32 @!p0 s3, s7;
	s7 =	simm.s32 @!p0 $0x108  }
0x21: {  	s3 =	sadd.s32 s3, s9;
	s6 =	sadd.s32 @!p0 $0x88, s6;
	s7 =	simm.s32 @p2 $0x1082  }
0x22: {  	[simem:s7], [sflag:s8] =	dma.local @!p0 [hbm:s6], $0xF7A  }
0x23: {  	s9 =	sor.u32 $0xD0000000, s2;
	s6 =	simm.s32 $0x108;
	_ =	swait.ge @!p0 [sflag:s8], $0x0  }
0x24: {  	s3 =	sadd.s32 $0x88, s3;
	s6 =	simm.s32 @!p1 $0x1082;
	[sflag:s4] =	ssyncset.s32 $0xFFFFF086  }
0x25: {  	[simem:s6], [sflag:s4] =	dma.local [hbm:s3], $0xF7A  }
0x26: {  	[smem:$0x3F9E] =	sst s1;
	(tag) =	ssettag s2;
	_ =	strace s9  }
0x27: {  	s1 =	sld [smem:$0x3FAE]  }
0x28: {  	s2 =	sld [smem:$0x3FAF]  }
0x29: {  	s4 =	sld [smem:$0x3FB1]  }
0x2a: {  	p0 =	seq.s32 s5, $0x0;
	s5 =	sld [smem:$0x3FB2]  }
0x2b: {  	s6 =	sld [smem:$0x3FB3]  }
0x2c: {  	s7 =	sld [smem:$0x3FB4]  }
0x2d: {  	s3 =	simm.s32 $0x108;
	s8 =	sld [smem:$0x3FB5]  }
0x2e: {  	s3 =	simm.s32 @!p0 $0x1082;
	s9 =	sld [smem:$0x3FB6]  }
0x2f: {  	lr =	sadd.s32 s0, s3;
	s0 =	sld [smem:$0x3FAD]  }
0x30: {  	s3 =	sld [smem:$0x3FB0]  }
0x31: {  	[smem:$0x3FB9] =	sst s10  }
0x32: {  	s10 =	sld [smem:$0x3FB7];
	_ =	sdelay $0x3  }
0x33: {  	p0 =	seq.s32 s10, $0x1;
	s10 =	sld [smem:$0x3FB9];
	_ =	sdelay $0x3  }
0x34: {  	[smem:$0x3FB9] =	sst s10  }
0x35: {  	s10 =	sld [smem:$0x3FB8];
	_ =	sdelay $0x3  }
0x36: {  	p1 =	seq.s32 s10, $0x1;
	s10 =	sld [smem:$0x3FB9];
	_ =	sdelay $0x3  }
0x37: {  	[smem:$0x3FB9] =	sst s10  }
0x38: {  	s10 =	sld [smem:$0x3FBA]  }
0x39: {  	_ = 	snop;
	(pc) =	sbr.ind lr, $3  }
0x3a: {  	_ = 	snop  }
0x3b: {  	_ = 	snop  }
0x3c: {  	p2 =	seq.s32 s10, $0x1;
	s10 =	sld [smem:$0x3FB9]  }
0x3d: {  	_ =	shalt  }
0x3e: {  	_ =	shalt  }
0x3f: {  	_ =	shalt  }
0x40: {  	_ =	shalt  }
0x41: {  	_ =	shalt  }
0x42: {  	_ =	shalt  }
0x43: {  	_ =	shalt  }
0x44: {  	_ =	shalt  }
0x45: {  	_ =	shalt  }
0x46: {  	_ =	shalt  }
0x47: {  	_ =	shalt  }
0x48: {  	_ =	shalt  }
0x49: {  	_ =	shalt  }
0x4a: {  	_ =	shalt  }
0x4b: {  	_ =	shalt  }
0x4c: {  	_ =	shalt  }
0x4d: {  	_ =	shalt  }
0x4e: {  	_ =	shalt  }
0x4f: {  	_ =	shalt  }
0x50: {  	_ =	shalt  }
0x51: {  	_ =	shalt  }
0x52: {  	_ =	shalt  }
0x53: {  	_ =	shalt  }
0x54: {  	_ =	shalt  }
0x55: {  	_ =	shalt  }
0x56: {  	_ =	shalt  }
0x57: {  	_ =	shalt  }
0x58: {  	_ =	shalt  }
0x59: {  	_ =	shalt  }
0x5a: {  	_ =	shalt  }
0x5b: {  	_ =	shalt  }
0x5c: {  	_ =	shalt  }
0x5d: {  	_ =	shalt  }
0x5e: {  	_ =	shalt  }
0x5f: {  	_ =	shalt  }
0x60: {  	_ =	shalt  }
0x61: {  	_ =	shalt  }
0x62: {  	_ =	shalt  }
0x63: {  	_ =	shalt  }
0x64: {  	_ =	shalt  }
0x65: {  	_ =	shalt  }
0x66: {  	_ =	shalt  }
0x67: {  	_ =	shalt  }
0x68: {  	_ =	shalt  }
0x69: {  	_ =	shalt  }
0x6a: {  	_ =	shalt  }
0x6b: {  	_ =	shalt  }
0x6c: {  	_ =	shalt  }
0x6d: {  	_ =	shalt  }
0x6e: {  	_ =	shalt  }
0x6f: {  	_ =	shalt  }
0x70: {  	_ =	shalt  }
0x71: {  	_ =	shalt  }
0x72: {  	_ =	shalt  }
0x73: {  	_ =	shalt  }
0x74: {  	_ =	shalt  }
0x75: {  	_ =	shalt  }
0x76: {  	_ =	shalt  }
0x77: {  	_ =	shalt  }
0x78: {  	_ =	shalt  }
0x79: {  	_ =	shalt  }
0x7a: {  	_ =	shalt  }
0x7b: {  	_ =	shalt  }
0x7c: {  	_ =	shalt  }
0x7d: {  	_ =	shalt  }
0x7e: {  	_ =	shalt  }
0x7f: {  	_ =	shalt  }
0x80: {  	_ =	shalt  }
0x81: {  	_ =	shalt  }
0x82: {  	_ =	shalt  }
0x83: {  	_ =	shalt  }
0x84: {  	_ =	shalt  }
0x85: {  	_ =	shalt  }
0x86: {  	_ =	shalt  }
0x87: {  	_ =	shalt  }
.Lfunc_end0:
.L_simem_size_0:
called_computation_lowered:
.L_overlay_start_0:
0x88: {  	s2 =	sld [smem:$0x3FD9]  }
0x89: {  	s3 =	sld [smem:$0x3FFE];
	_ =	sdelay $0x1  }
0x8a: {  	s1 =	srdreg.scid  }
0x8b: {  	s0 =	sand.u32 $0x1, s1  }
0x8c: {  	s14 =	sshll.u32 s0, $0xA;
	s2 =	sadd.s32 s3, s2  }
0x8d: {  	s2 =	sadd.s32 s2, s14  }
0x8e: {  	[smem:$0x3FC5] =	sst s2  }
0x8f: {  	_ = 	snop  }
0x90: {  	s2 =	sld [smem:$0x3FD0];
	_ =	sdelay $0x2  }
0x91: {  	s15 =	simm.s32 $0xA;
	s4 =	simm.s32 $0x10  }
0x92: {  	[smem:s4], [sflag:s15] =	dma.local [hbm:s2], $0x1  }
0x93: {  	_ =	swait.eq [sflag:s15], $0x1  }
0x94: {  	[sflag:s15] =	ssyncset.done $0x0  }
0x95: {  	[sflag:s15] =	ssyncadd.s32 $0xFFFFFFFF  }
0x96: {  	s16 =	sld [smem:$0x10];
	(tm) =	ssettm $0x1  }
0x97: {  	s17 =	sld [smem:$0x3FFB];
	_ =	sdelay $0x3  }
0x98: {  	_ =	strace s17  }
0x99: {  	s3 =	sld [smem:$0x3FFC];
	_ =	sdelay $0x3  }
0x9a: {  	_ =	strace s3  }
0x9b: {  	s3 =	sld [smem:$0x3FFD];
	_ =	sdelay $0x3  }
0x9c: {  	_ =	strace s3  }
0x9d: {  	_ =	strace $0x8FFFFFFF  }
0x9e: {  	s18 =	sld [smem:$0x3FDB];
	_ =	sdelay $0x1  }
0x9f: {  	s19 =	simm.s32 $_scs_section_size  }
0xa0: {  	s5 =	simm.s32 $_size__tile_overlayer_lowered;
	s6 =	simm.s32 $_tile_overlayer_lowered  }
0xa1: {  	s22 =	simm.s32 $0x1BFF;
	s21 =	sshll.u32 s6, $0x1;
	s3 =	sadd.s32 s19, s18  }
0xa2: {  	s7 =	simm.s32 $0x0;
	s20 =	sshll.u32 s5, $0x1;
	s5 =	sadd.s32 s21, s3  }
0xa3: {  	[timem:s7], [sflag:s22] =	dma.local [hbm:s5], s20  }
0xa4: {  	_ =	swait.ge [sflag:s22], s20  }
0xa5: {  	s4 =	ssub.s32 $0x0, s20;
	[sflag:s22] =	ssyncset.done $0x0  }
0xa6: {  	[sflag:s22] =	ssyncadd.s32 s4;
	_ =	sdelay $0x1  }
0xa7: {  	s23 =	simm.s32 $0x1B8B  }
0xa8: {  	_ =	swait.ge [sflag:s23], $0x1  }
0xa9: {  	[sflag:s23] =	ssyncset.done $0x0  }
0xaa: {  	s25 =	simm.s32 $0x1B8E;
	s24 =	sld [smem:$0x3FFE];
	[sflag:s23] =	ssyncadd.s32 $0xFFFFFFFF  }
0xab: {  	s26 =	simm.s32 $execute0_lowered;
	[smem:$0x3FD2] =	sst s25  }
0xac: {  	s5 =	sshll.u32 s26, $0x1;
	_ =	strace $0x80000046;
	[dreg:$0x1] =	wrdreg $0xFFFFFFFF  }
0xad: {  	s28 =	simm.s32 $_size_execute0_lowered;
	s3 =	sadd.s32 s3, s5;
	[dreg:$0x0] =	wrdreg $0x0  }
0xae: {  	s5 =	sshll.u32 s28, $0x1;
	[dreg:$0x2] =	wrdreg s3  }
0xaf: {  	[dreg:$0x3] =	wrdreg s5  }
0xb0: {  	[dreg:$0x4] =	wrdreg $0xC0  }
0xb1: {  	_ =	task [dreg:s7], $0x5FFFF  }
0xb2: {  	[dreg:$0x1] =	wrdreg $0xFFFFFFFF  }
0xb3: {  	[dreg:$0x0] =	wrdreg $0x60  }
0xb4: {  	[dreg:$0x2] =	wrdreg s24  }
0xb5: {  	[dreg:$0x3] =	wrdreg s16  }
0xb6: {  	[dreg:$0x4] =	wrdreg $0x9  }
0xb7: {  	_ =	task.clear_ibuf [dreg:s7], $0x5FFFF;
	_ =	strace $0x90000046  }
0xb8: {  	s29 =	simm.s32 $0x9;
	_ =	strace $0x80000048  }
0xb9: {  	_ =	swait.ge [sflag:s29], $0x1  }
0xba: {  	[sflag:s29] =	ssyncadd.s32 $0xFFFFFFFF  }
0xbb: {  	_ =	strace $0x90000048  }
0xbc: {  	_ =	sfence  }
0xbd: {  	s30 =	sld [smem:$0x0];
	_ =	sdelay $0x2  }
0xbe: {  	s31 =	sshll.u32 s1, $0xD;
	s1 =	sshrl.u32 s1, $0x2  }
0xbf: {  	s3 =	sand.u32 $0x4000, s31;
	s1 =	sadd.s32 s1, s30  }
0xc0: {  	s0 =	sor.u32 s3, s0;
	s1 =	sshll.u32 s1, $0x11  }
0xc1: {  	s0 =	sor.u32 s1, s0  }
0xc2: {  	s0 =	sadd.s32 $0x8F2B, s0  }
0xc3: {  	[sflag:s0] =	ssyncadd.remote.s32 $0x1  }
0xc4: {  	_ =	sfence.sel $0xFFFF  }
0xc5: {  	[dreg:$0x0] =	wrdreg $0xFFFFFFFF;
	(pc) =	sbr.abs _section_cstart, $3  }
0xc6: {  	[dreg:$0x1] =	wrdreg $0xFFFFFFFF  }
0xc7: {  	_ =	task.clear_ibuf [dreg:s7], $0x2FFFF;
	_ =	strace $0x9FFFFFFF  }
0xc8: {  	(tm) =	ssettm $0x7FFFFFFF  }
0xc9: {  	_ =	shalt  }
tec
execute0_lowered:
.L_overlay_start_1:
0x0: {  	(tag) =	ssettag $0x1  }
0x1: {  	s0 =	rddreg [dreg:$0x0]  }
0x2: {  	s13 =	rddreg [dreg:$0x1];
	s3 =	srdreg.scid;
	s2 =	simm.s32 $0x0  }
0x3: {  	s21 =	simm.s32 $0x9C00;
	s22 =	simm.s32 $0xA400;
	s30 =	simm.s32 $0xB400  }
0x4: {  	s31 =	simm.s32 $0xBC00;
	s28 =	simm.s32 $0xC400;
	[smem:$0x7FF] =	sst s2  }
0x5: {  	s4 =	stileid.u32;
	s11 =	sadd.s32 $0x2EEE00, s0;
	s8 =	sadd.s32 $0x2EF400, s0  }
0x6: {  	s3 =	sand.u32 $0x1, s3;
	s10 =	sadd.s32 $0x2EF600, s0;
	s14 =	sadd.s32 $0x2EF800, s0  }
0x7: {  	s4 =	sshll.u32 s4, $0x1;
	s15 =	sadd.s32 $0x2EF900, s0;
	s16 =	sadd.s32 $0x2EFA00, s0  }
0x8: {  	s18 =	sadd.s32 $0x2EFC00, s0;
	s5 =	sor.u32 s3, s4;
	s23 =	ssub.s32 $0x2, s3  }
0x9: {  	_ =	strace $0x80000047;
	s4 =	sadd.s32 $0x2EEF00, s0;
	s6 =	sshll.u32 s5, $0x7  }
0xa: {  	s7 =	sshrl.u32 s23, $0x1;
	s9 =	smul.u32 $0x25800, s5;
	s5 =	sadd.s32 $0x2EF100, s0  }
0xb: {  	s6 =	sadd.s32 s6, s0;
	s1 =	ssub.s32 s23, s7;
	s7 =	sadd.s32 $0x2EF300, s0  }
0xc: {  	s23 =	simm.s32 $0xAC00;
	s6 =	sadd.s32 $0xE00, s6;
	s12 =	sshrl.u32 s9, $0x3  }
0xd: {  	s9 =	sadd.s32 $0x2EF500, s0;
	[dreg:$0x3] =	wrdreg s6;
	s17 =	sadd.s32 s13, s12  }
0xe: {  	s19 =	smax.u32 s1, $0x1;
	s24 =	sadd.s32 $0xF00, s17;
	[dreg:$0x8] =	wrdreg s17  }
0xf: {  	s6 =	sadd.s32 $0x2EF200, s0;
	s25 =	sadd.s32 $0x1E00, s17;
	[dreg:$0x4] =	wrdreg s24  }
0x10: {  	s12 =	sadd.s32 $0x2EF000, s0;
	s26 =	sadd.s32 $0x2D00, s17;
	[dreg:$0x5] =	wrdreg s25  }
0x11: {  	v0 =	vlaneseq.u32;
	s13 =	sadd.s32 $0x2EF700, s0;
	s29 =	sadd.s32 $0x3C00, s17;
	[dreg:$0x6] =	wrdreg s26  }
0x12: {  	v1 =	vshrl.u32 v0, $0x3;
	s17 =	sadd.s32 $0x2EFB00, s0;
	s0 =	simm.s32 $0x400;
	[dreg:$0x7] =	wrdreg s29  }
0x13: {  	vm0 =	vmmov $0xffff;
	v0 =	vand.u32 $0x7, v0;
	v1 =	vmul.u32 $0x8, v1;
	s24 =	simm.s32 $0x1;
	s26 =	simm.s32 $0x3;
	s25 =	simm.s32 $0x7C00  }
.LBB2_1:
0x14: {  	s29 =	rddreg [dreg:$0x3];
	s20 =	simm.s32 $0x5  }
0x15: {  	[tilespmem:s2], [sflag:$0x5] =	stream.linear.gather [hbm4b:s29+s2], $0x280, $0x38;
	[tilespmem:$0xF400] =	vst v63  }
0x16: {  	_ =	swait.ge [sflag:s20], $0x280  }
0x17: {  	[sflag:s20] =	ssyncset.done $0x0  }
0x18: {  	[sflag:s20] =	ssyncadd.s32 $0xFFFFFD80  }
0x19: {  	v2 =	vld.msk [tilespmem:$0x0], $0xff;
	_ =	sdelay $0x4  }
0x1a: {  	v3 =	vshrl.u32 v2, $0x3  }
0x1b: {  	v3 =	vmul.u32 $0xF0, v3  }
0x1c: {  	v2 =	vand.u32 $0x7, v2  }
0x1d: {  	v2 =	vor.u32 v2, v3  }
0x1e: {  	v2 =	vperm.xlane v2, v0;
	_ =	sdelay $0x1  }
0x1f: {  	v2 =	vadd.s32 v1, v2;
	_ =	sdelay $0x4  }
0x20: {  	[tilespmem:s0], [sflag:$0x1] =	stream.indirect_vreg.gather [hbm4b:s11+s2], $0x80, v2, vm0, $0xb8;
	[tilespmem:$0xF400] =	vst v63  }
0x21: {  	s1 =	simm.s32 $0xC00  }
0x22: {  	[tilespmem:s1], [sflag:$0x1] =	stream.indirect_vreg.gather [hbm4b:s4+s2], $0x80, v2, vm0, $0xb8;
	[tilespmem:$0xF400] =	vst v63  }
0x23: {  	s29 =	simm.s32 $0x1400  }
0x24: {  	[tilespmem:s29], [sflag:$0x1] =	stream.indirect_vreg.gather [hbm4b:s12+s2], $0x80, v2, vm0, $0xb8;
	[tilespmem:$0xF400] =	vst v63  }
0x25: {  	s3 =	simm.s32 $0x1C00  }
0x26: {  	[tilespmem:s3], [sflag:$0x1] =	stream.indirect_vreg.gather [hbm4b:s5+s2], $0x80, v2, vm0, $0xb8;
	[tilespmem:$0xF400] =	vst v63  }
0x27: {  	s20 =	simm.s32 $0x2400  }
0x28: {  	[tilespmem:s20], [sflag:$0x1] =	stream.indirect_vreg.gather [hbm4b:s6+s2], $0x80, v2, vm0, $0xb8;
	[tilespmem:$0xF400] =	vst v63  }
0x29: {  	s29 =	simm.s32 $0x2C00  }
0x2a: {  	[tilespmem:s29], [sflag:$0x1] =	stream.indirect_vreg.gather [hbm4b:s7+s2], $0x80, v2, vm0, $0xb8;
	[tilespmem:$0xF400] =	vst v63  }
0x2b: {  	s3 =	simm.s32 $0x3400  }
0x2c: {  	[tilespmem:s3], [sflag:$0x1] =	stream.indirect_vreg.gather [hbm4b:s8+s2], $0x80, v2, vm0, $0xb8;
	[tilespmem:$0xF400] =	vst v63  }
0x2d: {  	s20 =	simm.s32 $0x3C00  }
0x2e: {  	[tilespmem:s20], [sflag:$0x1] =	stream.indirect_vreg.gather [hbm4b:s9+s2], $0x80, v2, vm0, $0xb8;
	[tilespmem:$0xF400] =	vst v63  }
0x2f: {  	s29 =	simm.s32 $0x4400  }
0x30: {  	[tilespmem:s29], [sflag:$0x1] =	stream.indirect_vreg.gather [hbm4b:s10+s2], $0x80, v2, vm0, $0xb8;
	[tilespmem:$0xF400] =	vst v63  }
0x31: {  	s3 =	simm.s32 $0x4C00  }
0x32: {  	[tilespmem:s3], [sflag:$0x1] =	stream.indirect_vreg.gather [hbm4b:s13+s2], $0x80, v2, vm0, $0xb8;
	[tilespmem:$0xF400] =	vst v63  }
0x33: {  	s20 =	simm.s32 $0x5400  }
0x34: {  	[tilespmem:s20], [sflag:$0x1] =	stream.indirect_vreg.gather [hbm4b:s14+s2], $0x80, v2, vm0, $0xb8;
	[tilespmem:$0xF400] =	vst v63  }
0x35: {  	s29 =	simm.s32 $0x5C00  }
0x36: {  	[tilespmem:s29], [sflag:$0x1] =	stream.indirect_vreg.gather [hbm4b:s15+s2], $0x80, v2, vm0, $0xb8;
	[tilespmem:$0xF400] =	vst v63  }
0x37: {  	s3 =	simm.s32 $0x6400  }
0x38: {  	[tilespmem:s3], [sflag:$0x1] =	stream.indirect_vreg.gather [hbm4b:s16+s2], $0x80, v2, vm0, $0xb8;
	[tilespmem:$0xF400] =	vst v63  }
0x39: {  	s20 =	simm.s32 $0x6C00  }
0x3a: {  	[tilespmem:s20], [sflag:$0x1] =	stream.indirect_vreg.gather [hbm4b:s17+s2], $0x80, v2, vm0, $0xb8;
	[tilespmem:$0xF400] =	vst v63  }
0x3b: {  	s29 =	simm.s32 $0x7400  }
0x3c: {  	[tilespmem:s29], [sflag:$0x1] =	stream.indirect_vreg.gather [hbm4b:s18+s2], $0x80, v2, vm0, $0xb8;
	[tilespmem:$0xF400] =	vst v63  }
0x3d: {  	v2 =	vld.msk [tilespmem:$0x80], $0xff;
	_ =	sdelay $0x4  }
0x3e: {  	v3 =	vshrl.u32 v2, $0x3  }
0x3f: {  	v3 =	vmul.u32 $0xF0, v3  }
0x40: {  	v2 =	vand.u32 $0x7, v2  }
0x41: {  	v2 =	vor.u32 v2, v3  }
0x42: {  	v2 =	vperm.xlane v2, v0;
	_ =	sdelay $0x1  }
0x43: {  	v2 =	vadd.s32 v1, v2;
	_ =	sdelay $0x4  }
0x44: {  	[tilespmem:s25], [sflag:$0x2] =	stream.indirect_vreg.gather [hbm4b:s11+s2], $0x80, v2, vm0, $0xb8;
	[tilespmem:$0xF400] =	vst v63  }
0x45: {  	s3 =	simm.s32 $0x8400  }
0x46: {  	[tilespmem:s3], [sflag:$0x2] =	stream.indirect_vreg.gather [hbm4b:s4+s2], $0x80, v2, vm0, $0xb8;
	[tilespmem:$0xF400] =	vst v63  }
0x47: {  	s20 =	simm.s32 $0x8C00  }
0x48: {  	[tilespmem:s20], [sflag:$0x2] =	stream.indirect_vreg.gather [hbm4b:s12+s2], $0x80, v2, vm0, $0xb8;
	[tilespmem:$0xF400] =	vst v63  }
0x49: {  	s20 =	simm.s32 $0x9400  }
0x4a: {  	[tilespmem:s20], [sflag:$0x2] =	stream.indirect_vreg.gather [hbm4b:s5+s2], $0x80, v2, vm0, $0xb8;
	[tilespmem:$0xF400] =	vst v63  }
0x4b: {  	_ = 	snop  }
0x4c: {  	[tilespmem:s21], [sflag:$0x2] =	stream.indirect_vreg.gather [hbm4b:s6+s2], $0x80, v2, vm0, $0xb8;
	[tilespmem:$0xF400] =	vst v63  }
0x4d: {  	_ = 	snop  }
0x4e: {  	[tilespmem:s22], [sflag:$0x2] =	stream.indirect_vreg.gather [hbm4b:s7+s2], $0x80, v2, vm0, $0xb8;
	[tilespmem:$0xF400] =	vst v63  }
0x4f: {  	_ = 	snop  }
0x50: {  	[tilespmem:s23], [sflag:$0x2] =	stream.indirect_vreg.gather [hbm4b:s8+s2], $0x80, v2, vm0, $0xb8;
	[tilespmem:$0xF400] =	vst v63  }
0x51: {  	_ = 	snop  }
0x52: {  	[tilespmem:s30], [sflag:$0x2] =	stream.indirect_vreg.gather [hbm4b:s9+s2], $0x80, v2, vm0, $0xb8;
	[tilespmem:$0xF400] =	vst v63  }
0x53: {  	_ = 	snop  }
0x54: {  	[tilespmem:s31], [sflag:$0x2] =	stream.indirect_vreg.gather [hbm4b:s10+s2], $0x80, v2, vm0, $0xb8;
	[tilespmem:$0xF400] =	vst v63  }
0x55: {  	_ = 	snop  }
0x56: {  	[tilespmem:s28], [sflag:$0x2] =	stream.indirect_vreg.gather [hbm4b:s13+s2], $0x80, v2, vm0, $0xb8;
	[tilespmem:$0xF400] =	vst v63  }
0x57: {  	s29 =	simm.s32 $0xCC00  }
0x58: {  	[tilespmem:s29], [sflag:$0x2] =	stream.indirect_vreg.gather [hbm4b:s14+s2], $0x80, v2, vm0, $0xb8;
	[tilespmem:$0xF400] =	vst v63  }
0x59: {  	s3 =	simm.s32 $0xD400  }
0x5a: {  	[tilespmem:s3], [sflag:$0x2] =	stream.indirect_vreg.gather [hbm4b:s15+s2], $0x80, v2, vm0, $0xb8;
	[tilespmem:$0xF400] =	vst v63  }
0x5b: {  	s29 =	simm.s32 $0xDC00  }
0x5c: {  	[tilespmem:s29], [sflag:$0x2] =	stream.indirect_vreg.gather [hbm4b:s16+s2], $0x80, v2, vm0, $0xb8;
	[tilespmem:$0xF400] =	vst v63  }
0x5d: {  	s3 =	simm.s32 $0xE400  }
0x5e: {  	[tilespmem:s3], [sflag:$0x2] =	stream.indirect_vreg.gather [hbm4b:s17+s2], $0x80, v2, vm0, $0xb8;
	[tilespmem:$0xF400] =	vst v63  }
0x5f: {  	s29 =	simm.s32 $0xEC00  }
0x60: {  	[tilespmem:s29], [sflag:$0x2] =	stream.indirect_vreg.gather [hbm4b:s18+s2], $0x80, v2, vm0, $0xb8;
	[tilespmem:$0xF400] =	vst v63  }
0x61: {  	_ =	swait.ge [sflag:s24], $0x7800  }
0x62: {  	[sflag:s24] =	ssyncset.done $0x0  }
0x63: {  	s3 =	rddreg [dreg:$0x8];
	[sflag:s24] =	ssyncadd.s32 $0xFFFF8800  }
0x64: {  	[hbm4b:s3+s2] =	stream.linear.scatter [tilespmem:s0], [sflag:$0x3], $0x7800, $0x38;
	[tilespmem:$0xF400] =	vst v63  }
0x65: {  	s3 =	simm.s32 $0x2  }
0x66: {  	_ =	swait.ge [sflag:s3], $0x7800  }
0x67: {  	[sflag:s3] =	ssyncset.done $0x0  }
0x68: {  	s1 =	rddreg [dreg:$0x4];
	[sflag:s3] =	ssyncadd.s32 $0xFFFF8800  }
0x69: {  	[hbm4b:s1+s2] =	stream.linear.scatter [tilespmem:s25], [sflag:$0x4], $0x7800, $0x38;
	[tilespmem:$0xF400] =	vst v63  }
0x6a: {  	_ =	swait.ge [sflag:s26], $0x7800  }
0x6b: {  	[sflag:s26] =	ssyncset.done $0x0  }
0x6c: {  	[sflag:s26] =	ssyncadd.s32 $0xFFFF8800  }
0x6d: {  	v2 =	vld.msk [tilespmem:$0x100], $0xff;
	_ =	sdelay $0x4  }
0x6e: {  	v3 =	vshrl.u32 v2, $0x3  }
0x6f: {  	v3 =	vmul.u32 $0xF0, v3  }
0x70: {  	v2 =	vand.u32 $0x7, v2  }
0x71: {  	v2 =	vor.u32 v2, v3  }
0x72: {  	v2 =	vperm.xlane v2, v0;
	_ =	sdelay $0x1  }
0x73: {  	v2 =	vadd.s32 v1, v2;
	_ =	sdelay $0x4  }
0x74: {  	[tilespmem:s0], [sflag:$0x1] =	stream.indirect_vreg.gather [hbm4b:s11+s2], $0x80, v2, vm0, $0xb8;
	[tilespmem:$0xF400] =	vst v63  }
0x75: {  	s29 =	simm.s32 $0xC00  }
0x76: {  	[tilespmem:s29], [sflag:$0x1] =	stream.indirect_vreg.gather [hbm4b:s4+s2], $0x80, v2, vm0, $0xb8;
	[tilespmem:$0xF400] =	vst v63  }
0x77: {  	s29 =	simm.s32 $0x1400  }
0x78: {  	[tilespmem:s29], [sflag:$0x1] =	stream.indirect_vreg.gather [hbm4b:s12+s2], $0x80, v2, vm0, $0xb8;
	[tilespmem:$0xF400] =	vst v63  }
0x79: {  	s29 =	simm.s32 $0x1C00  }
0x7a: {  	[tilespmem:s29], [sflag:$0x1] =	stream.indirect_vreg.gather [hbm4b:s5+s2], $0x80, v2, vm0, $0xb8;
	[tilespmem:$0xF400] =	vst v63  }
0x7b: {  	s29 =	simm.s32 $0x2400  }
0x7c: {  	[tilespmem:s29], [sflag:$0x1] =	stream.indirect_vreg.gather [hbm4b:s6+s2], $0x80, v2, vm0, $0xb8;
	[tilespmem:$0xF400] =	vst v63  }
0x7d: {  	s29 =	simm.s32 $0x2C00  }
0x7e: {  	[tilespmem:s29], [sflag:$0x1] =	stream.indirect_vreg.gather [hbm4b:s7+s2], $0x80, v2, vm0, $0xb8;
	[tilespmem:$0xF400] =	vst v63  }
0x7f: {  	s29 =	simm.s32 $0x3400  }
0x80: {  	[tilespmem:s29], [sflag:$0x1] =	stream.indirect_vreg.gather [hbm4b:s8+s2], $0x80, v2, vm0, $0xb8;
	[tilespmem:$0xF400] =	vst v63  }
0x81: {  	s29 =	simm.s32 $0x3C00  }
0x82: {  	[tilespmem:s29], [sflag:$0x1] =	stream.indirect_vreg.gather [hbm4b:s9+s2], $0x80, v2, vm0, $0xb8;
	[tilespmem:$0xF400] =	vst v63  }
0x83: {  	s29 =	simm.s32 $0x4400  }
0x84: {  	[tilespmem:s29], [sflag:$0x1] =	stream.indirect_vreg.gather [hbm4b:s10+s2], $0x80, v2, vm0, $0xb8;
	[tilespmem:$0xF400] =	vst v63  }
0x85: {  	s29 =	simm.s32 $0x4C00  }
0x86: {  	[tilespmem:s29], [sflag:$0x1] =	stream.indirect_vreg.gather [hbm4b:s13+s2], $0x80, v2, vm0, $0xb8;
	[tilespmem:$0xF400] =	vst v63  }
0x87: {  	s29 =	simm.s32 $0x5400  }
0x88: {  	[tilespmem:s29], [sflag:$0x1] =	stream.indirect_vreg.gather [hbm4b:s14+s2], $0x80, v2, vm0, $0xb8;
	[tilespmem:$0xF400] =	vst v63  }
0x89: {  	s29 =	simm.s32 $0x5C00  }
0x8a: {  	[tilespmem:s29], [sflag:$0x1] =	stream.indirect_vreg.gather [hbm4b:s15+s2], $0x80, v2, vm0, $0xb8;
	[tilespmem:$0xF400] =	vst v63  }
0x8b: {  	s29 =	simm.s32 $0x6400  }
0x8c: {  	[tilespmem:s29], [sflag:$0x1] =	stream.indirect_vreg.gather [hbm4b:s16+s2], $0x80, v2, vm0, $0xb8;
	[tilespmem:$0xF400] =	vst v63  }
0x8d: {  	s29 =	simm.s32 $0x6C00  }
0x8e: {  	[tilespmem:s29], [sflag:$0x1] =	stream.indirect_vreg.gather [hbm4b:s17+s2], $0x80, v2, vm0, $0xb8;
	[tilespmem:$0xF400] =	vst v63  }
0x8f: {  	s1 =	simm.s32 $0x4;
	s29 =	simm.s32 $0x7400  }
0x90: {  	[tilespmem:s29], [sflag:$0x1] =	stream.indirect_vreg.gather [hbm4b:s18+s2], $0x80, v2, vm0, $0xb8;
	[tilespmem:$0xF400] =	vst v63  }
0x91: {  	_ =	swait.ge [sflag:s1], $0x7800  }
0x92: {  	[sflag:s1] =	ssyncset.done $0x0  }
0x93: {  	[sflag:s1] =	ssyncadd.s32 $0xFFFF8800  }
0x94: {  	v2 =	vld.msk [tilespmem:$0x180], $0xff;
	_ =	sdelay $0x4  }
0x95: {  	v3 =	vshrl.u32 v2, $0x3  }
0x96: {  	v3 =	vmul.u32 $0xF0, v3  }
0x97: {  	v2 =	vand.u32 $0x7, v2  }
0x98: {  	v2 =	vor.u32 v2, v3  }
0x99: {  	v2 =	vperm.xlane v2, v0;
	_ =	sdelay $0x1  }
0x9a: {  	v2 =	vadd.s32 v1, v2;
	_ =	sdelay $0x4  }
0x9b: {  	[tilespmem:s25], [sflag:$0x2] =	stream.indirect_vreg.gather [hbm4b:s11+s2], $0x80, v2, vm0, $0xb8;
	[tilespmem:$0xF400] =	vst v63  }
0x9c: {  	s29 =	simm.s32 $0x8400  }
0x9d: {  	[tilespmem:s29], [sflag:$0x2] =	stream.indirect_vreg.gather [hbm4b:s4+s2], $0x80, v2, vm0, $0xb8;
	[tilespmem:$0xF400] =	vst v63  }
0x9e: {  	s29 =	simm.s32 $0x8C00  }
0x9f: {  	[tilespmem:s29], [sflag:$0x2] =	stream.indirect_vreg.gather [hbm4b:s12+s2], $0x80, v2, vm0, $0xb8;
	[tilespmem:$0xF400] =	vst v63  }
0xa0: {  	_ = 	snop  }
0xa1: {  	[tilespmem:s20], [sflag:$0x2] =	stream.indirect_vreg.gather [hbm4b:s5+s2], $0x80, v2, vm0, $0xb8;
	[tilespmem:$0xF400] =	vst v63  }
0xa2: {  	_ = 	snop  }
0xa3: {  	[tilespmem:s21], [sflag:$0x2] =	stream.indirect_vreg.gather [hbm4b:s6+s2], $0x80, v2, vm0, $0xb8;
	[tilespmem:$0xF400] =	vst v63  }
0xa4: {  	_ = 	snop  }
0xa5: {  	[tilespmem:s22], [sflag:$0x2] =	stream.indirect_vreg.gather [hbm4b:s7+s2], $0x80, v2, vm0, $0xb8;
	[tilespmem:$0xF400] =	vst v63  }
0xa6: {  	_ = 	snop  }
0xa7: {  	[tilespmem:s23], [sflag:$0x2] =	stream.indirect_vreg.gather [hbm4b:s8+s2], $0x80, v2, vm0, $0xb8;
	[tilespmem:$0xF400] =	vst v63  }
0xa8: {  	_ = 	snop  }
0xa9: {  	[tilespmem:s30], [sflag:$0x2] =	stream.indirect_vreg.gather [hbm4b:s9+s2], $0x80, v2, vm0, $0xb8;
	[tilespmem:$0xF400] =	vst v63  }
0xaa: {  	_ = 	snop  }
0xab: {  	[tilespmem:s31], [sflag:$0x2] =	stream.indirect_vreg.gather [hbm4b:s10+s2], $0x80, v2, vm0, $0xb8;
	[tilespmem:$0xF400] =	vst v63  }
0xac: {  	_ = 	snop  }
0xad: {  	[tilespmem:s28], [sflag:$0x2] =	stream.indirect_vreg.gather [hbm4b:s13+s2], $0x80, v2, vm0, $0xb8;
	[tilespmem:$0xF400] =	vst v63  }
0xae: {  	s29 =	simm.s32 $0xCC00  }
0xaf: {  	[tilespmem:s29], [sflag:$0x2] =	stream.indirect_vreg.gather [hbm4b:s14+s2], $0x80, v2, vm0, $0xb8;
	[tilespmem:$0xF400] =	vst v63  }
0xb0: {  	s29 =	simm.s32 $0xD400  }
0xb1: {  	[tilespmem:s29], [sflag:$0x2] =	stream.indirect_vreg.gather [hbm4b:s15+s2], $0x80, v2, vm0, $0xb8;
	[tilespmem:$0xF400] =	vst v63  }
0xb2: {  	s29 =	simm.s32 $0xDC00  }
0xb3: {  	[tilespmem:s29], [sflag:$0x2] =	stream.indirect_vreg.gather [hbm4b:s16+s2], $0x80, v2, vm0, $0xb8;
	[tilespmem:$0xF400] =	vst v63  }
0xb4: {  	s29 =	simm.s32 $0xE400  }
0xb5: {  	[tilespmem:s29], [sflag:$0x2] =	stream.indirect_vreg.gather [hbm4b:s17+s2], $0x80, v2, vm0, $0xb8;
	[tilespmem:$0xF400] =	vst v63  }
0xb6: {  	s29 =	simm.s32 $0xEC00  }
0xb7: {  	[tilespmem:s29], [sflag:$0x2] =	stream.indirect_vreg.gather [hbm4b:s18+s2], $0x80, v2, vm0, $0xb8;
	[tilespmem:$0xF400] =	vst v63  }
0xb8: {  	_ =	swait.ge [sflag:s24], $0x7800  }
0xb9: {  	[sflag:s24] =	ssyncset.done $0x0  }
0xba: {  	s20 =	rddreg [dreg:$0x5];
	[sflag:s24] =	ssyncadd.s32 $0xFFFF8800  }
0xbb: {  	[hbm4b:s20+s2] =	stream.linear.scatter [tilespmem:s0], [sflag:$0x3], $0x7800, $0x38;
	[tilespmem:$0xF400] =	vst v63  }
0xbc: {  	_ =	swait.ge [sflag:s3], $0x7800  }
0xbd: {  	[sflag:s3] =	ssyncset.done $0x0  }
0xbe: {  	s20 =	rddreg [dreg:$0x6];
	[sflag:s3] =	ssyncadd.s32 $0xFFFF8800  }
0xbf: {  	[hbm4b:s20+s2] =	stream.linear.scatter [tilespmem:s25], [sflag:$0x4], $0x7800, $0x38;
	[tilespmem:$0xF400] =	vst v63  }
0xc0: {  	_ =	swait.ge [sflag:s26], $0x7800  }
0xc1: {  	[sflag:s26] =	ssyncset.done $0x0  }
0xc2: {  	[sflag:s26] =	ssyncadd.s32 $0xFFFF8800  }
0xc3: {  	v2 =	vld.msk [tilespmem:$0x200], $0xff;
	_ =	sdelay $0x4  }
0xc4: {  	v3 =	vshrl.u32 v2, $0x3  }
0xc5: {  	v3 =	vmul.u32 $0xF0, v3  }
0xc6: {  	v2 =	vand.u32 $0x7, v2  }
0xc7: {  	v2 =	vor.u32 v2, v3  }
0xc8: {  	v2 =	vperm.xlane v2, v0;
	_ =	sdelay $0x1  }
0xc9: {  	v2 =	vadd.s32 v1, v2;
	_ =	sdelay $0x4  }
0xca: {  	[tilespmem:s0], [sflag:$0x1] =	stream.indirect_vreg.gather [hbm4b:s11+s2], $0x80, v2, vm0, $0xb8;
	[tilespmem:$0xF400] =	vst v63  }
0xcb: {  	s20 =	simm.s32 $0xC00  }
0xcc: {  	[tilespmem:s20], [sflag:$0x1] =	stream.indirect_vreg.gather [hbm4b:s4+s2], $0x80, v2, vm0, $0xb8;
	[tilespmem:$0xF400] =	vst v63  }
0xcd: {  	s29 =	simm.s32 $0x1400  }
0xce: {  	[tilespmem:s29], [sflag:$0x1] =	stream.indirect_vreg.gather [hbm4b:s12+s2], $0x80, v2, vm0, $0xb8;
	[tilespmem:$0xF400] =	vst v63  }
0xcf: {  	s20 =	simm.s32 $0x1C00  }
0xd0: {  	[tilespmem:s20], [sflag:$0x1] =	stream.indirect_vreg.gather [hbm4b:s5+s2], $0x80, v2, vm0, $0xb8;
	[tilespmem:$0xF400] =	vst v63  }
0xd1: {  	s29 =	simm.s32 $0x2400  }
0xd2: {  	[tilespmem:s29], [sflag:$0x1] =	stream.indirect_vreg.gather [hbm4b:s6+s2], $0x80, v2, vm0, $0xb8;
	[tilespmem:$0xF400] =	vst v63  }
0xd3: {  	s20 =	simm.s32 $0x2C00  }
0xd4: {  	[tilespmem:s20], [sflag:$0x1] =	stream.indirect_vreg.gather [hbm4b:s7+s2], $0x80, v2, vm0, $0xb8;
	[tilespmem:$0xF400] =	vst v63  }
0xd5: {  	s29 =	simm.s32 $0x3400  }
0xd6: {  	[tilespmem:s29], [sflag:$0x1] =	stream.indirect_vreg.gather [hbm4b:s8+s2], $0x80, v2, vm0, $0xb8;
	[tilespmem:$0xF400] =	vst v63  }
0xd7: {  	s20 =	simm.s32 $0x3C00  }
0xd8: {  	[tilespmem:s20], [sflag:$0x1] =	stream.indirect_vreg.gather [hbm4b:s9+s2], $0x80, v2, vm0, $0xb8;
	[tilespmem:$0xF400] =	vst v63  }
0xd9: {  	s29 =	simm.s32 $0x4400  }
0xda: {  	[tilespmem:s29], [sflag:$0x1] =	stream.indirect_vreg.gather [hbm4b:s10+s2], $0x80, v2, vm0, $0xb8;
	[tilespmem:$0xF400] =	vst v63  }
0xdb: {  	s20 =	simm.s32 $0x4C00  }
0xdc: {  	[tilespmem:s20], [sflag:$0x1] =	stream.indirect_vreg.gather [hbm4b:s13+s2], $0x80, v2, vm0, $0xb8;
	[tilespmem:$0xF400] =	vst v63  }
0xdd: {  	s29 =	simm.s32 $0x5400  }
0xde: {  	[tilespmem:s29], [sflag:$0x1] =	stream.indirect_vreg.gather [hbm4b:s14+s2], $0x80, v2, vm0, $0xb8;
	[tilespmem:$0xF400] =	vst v63  }
0xdf: {  	s20 =	simm.s32 $0x5C00  }
0xe0: {  	[tilespmem:s20], [sflag:$0x1] =	stream.indirect_vreg.gather [hbm4b:s15+s2], $0x80, v2, vm0, $0xb8;
	[tilespmem:$0xF400] =	vst v63  }
0xe1: {  	s29 =	simm.s32 $0x6400  }
0xe2: {  	[tilespmem:s29], [sflag:$0x1] =	stream.indirect_vreg.gather [hbm4b:s16+s2], $0x80, v2, vm0, $0xb8;
	[tilespmem:$0xF400] =	vst v63  }
0xe3: {  	s20 =	simm.s32 $0x6C00  }
0xe4: {  	[tilespmem:s20], [sflag:$0x1] =	stream.indirect_vreg.gather [hbm4b:s17+s2], $0x80, v2, vm0, $0xb8;
	[tilespmem:$0xF400] =	vst v63  }
0xe5: {  	s29 =	simm.s32 $0x7400  }
0xe6: {  	[tilespmem:s29], [sflag:$0x1] =	stream.indirect_vreg.gather [hbm4b:s18+s2], $0x80, v2, vm0, $0xb8;
	[tilespmem:$0xF400] =	vst v63  }
0xe7: {  	_ =	swait.ge [sflag:s24], $0x7800  }
0xe8: {  	[sflag:s24] =	ssyncset.done $0x0  }
0xe9: {  	s20 =	rddreg [dreg:$0x7];
	[sflag:s24] =	ssyncadd.s32 $0xFFFF8800  }
0xea: {  	[hbm4b:s20+s2] =	stream.linear.scatter [tilespmem:s0], [sflag:$0x3], $0x7800, $0x38;
	[tilespmem:$0xF400] =	vst v63  }
0xeb: {  	p0 =	sne.s32 s19, $0x1;
	_ =	swait.ge [sflag:s1], $0x7800  }
.Ltmp0:
0xec: {  	[sflag:s1] =	ssyncset.done $0x0;
	(pc) =	sbr.rel @p0 .LBB2_1-.Ltmp0, $4  }
0xed: {  	[sflag:s1] =	ssyncadd.s32 $0xFFFF8800  }
0xee: {  	_ =	swait.ge [sflag:s26], $0x7800  }
0xef: {  	[sflag:s26] =	ssyncset.done $0x0  }
0xf0: {  	s19 =	sadd.s32 $0xFFFFFFFF, s19;
	[sflag:s26] =	ssyncadd.s32 $0xFFFF8800  }
0xf1: {  	_ =	sfence.sel $0x180000  }
0xf2: {  	[bflag:$0x0] =	sbarrier.arrive $0xFFFF  }
0xf3: {  	_ =	strace $0x90000047  }
0xf4: {  	s0 =	stileid.u32;
	[bflag:$0x2] =	sbarrier.arrive $0xFFFF  }
0xf5: {  	p0 =	sne.s32 s0, $0x0;
	s0 =	rddreg [dreg:$0x2]  }
0xf6: {  	s0 =	sadd.s32 @!p0 $0x100000, s0  }
0xf7: {  	[sflag:s0] =	ssyncadd.tile.s32 @!p0 $0x1;
	_ =	shalt  }
.Lfunc_end2:
_tile_overlayer_lowered:
.L_overlay_start_2:
0xf8: {  	(tag) =	ssettag $0x2  }
0xf9: {  	s0 =	rddreg [dreg:$0x0];
	s2 =	stileid.u32  }
0xfa: {  	s1 =	rddreg [dreg:$0x1];
	p0 =	sne.s32 s2, $0x0  }
0xfb: {  	s3 =	rddreg [dreg:$0x2];
	[bflag:$0x3] =	sbarrier.arrive $0xFFFF;
	s2 =	simm.s32 @!p0 $0x1C05  }
0xfc: {  	[timem:s3], [sflag:s2] =	dma.local @!p0 [hbm:s0], s1  }
0xfd: {  	s0 =	simm.s32 @!p0 $0x5  }
0xfe: {  	_ =	swait.ge @!p0 [sflag:s0], s1  }
0xff: {  	s1 =	ssub.s32 @!p0 $0x0, s1;
	[sflag:s0] =	ssyncset.done @!p0 $0x0  }
0x100: {  	[sflag:s0] =	ssyncadd.s32 @!p0 s1  }
0x101: {  	[bflag:$0x3] =	sbarrier.arrive $0xFFFF  }
0x102: {  	_ =	shalt  }

</sc_bundles>
